<compile_context>
chip_gen: v7x
topology: tpu7x:2x2x1
jax: 0.10.2.dev20260603
libtpu: 0.0.44.dev20260713+nightly
codegen_flags: <defaults>
</compile_context>

<pallas_src>
import dataclasses

import jax
import jax.numpy as jnp
from jax import lax
from jax.experimental import pallas as pl
from jax.experimental.pallas import tpu as pltpu
from jax.experimental.pallas import tpu_sc as plsc

B = 16384
K = 32
L = 1000000
GROUPS = 128 // K
NC = 2
NS = 16
NW = NC * NS
B_PER_W = B // NW

TCHUNK = 32768
TGRID = -(-L // TCHUNK)
WROWS = TGRID * (TCHUNK // GROUPS)


def _widen_body(i_ref, o_ref):
    vt = i_ref[...].T
    for s in range(TCHUNK // 512):
        base = s * 512
        for m in range(4):
            o_ref[pl.ds(s * 128, 128), pl.ds(32 * m, 32)] = vt[
                base + 128 * m : base + 128 * (m + 1), :
            ]


def _tc_widen(table_t):
    return pl.pallas_call(
        _widen_body,
        grid=(TGRID,),
        in_specs=[pl.BlockSpec((K, TCHUNK), lambda i: (0, i))],
        out_specs=pl.BlockSpec((TCHUNK // GROUPS, 128), lambda i: (i, 0)),
        out_shape=jax.ShapeDtypeStruct((WROWS, 128), jnp.float32),
        compiler_params=pltpu.CompilerParams(
            dimension_semantics=("parallel",),
        ),
    )(table_t)


def _sc_gather_wide(x_wide, table_wide):
    mesh = plsc.VectorSubcoreMesh(core_axis_name="c", subcore_axis_name="s")
    cp = pltpu.CompilerParams()
    if "needs_layout_passes" in pltpu.CompilerParams.__dataclass_fields__:
        cp = dataclasses.replace(cp, needs_layout_passes=False)

    @pl.kernel(
        mesh=mesh,
        compiler_params=cp,
        out_type=jax.ShapeDtypeStruct((B, 128), jnp.float32),
        scratch_types=[
            pltpu.VMEM((B_PER_W,), jnp.int32),
            pltpu.VMEM((B_PER_W, 128), jnp.float32),
            pltpu.SemaphoreType.DMA,
        ],
    )
    def gather_kernel(table_hbm, idx_hbm, out_hbm, idx_v, rows_v, sem):
        wid = lax.axis_index("s") * NC + lax.axis_index("c")
        base = wid * B_PER_W
        pltpu.sync_copy(idx_hbm.at[pl.ds(base, B_PER_W)], idx_v)
        pltpu.async_copy(table_hbm.at[idx_v], rows_v, sem).wait()
        pltpu.sync_copy(rows_v, out_hbm.at[pl.ds(base, B_PER_W)])

    return gather_kernel(table_wide, x_wide)


def _normalize_body(w_ref, g_ref, o_ref):
    w = w_ref[...]
    g = g_ref[...]
    lane_group = lax.broadcasted_iota(jnp.int32, (B, 128), 1) // K
    a = jnp.where(g == lane_group, w, 0.0)
    raw = a[:, 0:32] + a[:, 32:64] + a[:, 64:96] + a[:, 96:128]
    ss = jnp.sum(raw * raw, axis=0)
    scale = lax.rsqrt(ss * (1.0 / B))
    o_ref[...] = raw * scale[None, :]


def _tc_normalize(wide_rows, group):
    return pl.pallas_call(
        _normalize_body,
        out_shape=jax.ShapeDtypeStruct((B, K), jnp.float32),
    )(wide_rows, group)


def kernel(x, eigenfuncs):
    x = x.astype(jnp.int32)
    table_wide = _tc_widen(eigenfuncs.T)
    wide_idx = ((x >> 9) << 7) + (x & 127)
    group = (x >> 7) & 3
    wide_rows = _sc_gather_wide(wide_idx, table_wide)
    return _tc_normalize(wide_rows, group.reshape(B, 1))

# --- scband reference (transcript-rebuilt; emitter-appended) ---
"""Pipeline reference for scband-neural-eigen-functions-debug-68015102099458 (READ-ONLY COPY).

The authoritative reference and input builder live on the scoring server;
editing this copy changes nothing except your own understanding.
"""

import math
import jax, jax.numpy as jnp
import numpy as np

L = 1000000
K = 32
B = 16384

def setup_inputs(seed: int = 0) -> dict:
    key = jax.random.key(seed)
    k1, k2 = jax.random.split(key)
    x = jax.random.randint(k1, (B,), 0, L, dtype=jnp.int64) if jax.config.jax_enable_x64 else jax.random.randint(k1, (B,), 0, L, dtype=jnp.int32)
    eigenfuncs = jax.random.normal(k2, (L, K), dtype=jnp.float32)
    return {"x": x, "eigenfuncs": eigenfuncs}

def reference(x, eigenfuncs):
    # ret_raw = self.eigenfuncs[x]  (embedding gather)
    ret_raw = jnp.take(eigenfuncs, x, axis=0)
    # training branch: norm over dim 0, divided by sqrt(batch)
    norm_ = jnp.linalg.norm(ret_raw, axis=0) / math.sqrt(ret_raw.shape[0])
    return ret_raw / norm_

if __name__ == "__main__":
    import jax
    _d = setup_inputs()
    print(jax.jit(kernel)(*tuple(_d.values())))

</pallas_src>

<mosaic_0001>
#map = affine_map<(d0, d1) -> (0, 0)>
#map1 = affine_map<(d0, d1) -> (0)>
module attributes {stable_mosaic.version = 14 : i64} {
  func.func @gather_kernel(%arg0: i32, %arg1: i32, %arg2: memref<253952x128xf32, #tpu.memory_space<hbm>>, %arg3: memref<16384xi32, #tpu.memory_space<hbm>>, %arg4: memref<16384x128xf32, #tpu.memory_space<hbm>>, %arg5: memref<512xi32, #tpu.memory_space<vmem>>, %arg6: memref<512x128xf32, #tpu.memory_space<vmem>>, %arg7: memref<!tpu.dma_semaphore, #tpu.memory_space<semaphore_mem>>) attributes {dimension_semantics = [#tpu.dimension_semantics<core_parallel>, #tpu.dimension_semantics<subcore_parallel>], iteration_bounds = array<i64: 2, 16>, scalar_prefetch = 0 : i64, scratch_operands = 3 : i64, tpu.core_type = #tpu.core_type<sc_vector_subcore>, window_params = [{transform_indices = #map}, {transform_indices = #map1}, {transform_indices = #map}]} {
    %mul3A = arith.constant 2 : i32
    %mul3A_0 = arith.muli %arg1, %mul3A : i32
    %add3A = arith.addi %mul3A_0, %arg0 : i32
    %mul3A_1 = arith.constant 512 : i32
    %mul3A_2 = arith.muli %add3A, %mul3A_1 : i32
    "tpu.region"() ({
      %run_scoped3A = tpu.sem_alloc : memref<!tpu.dma_semaphore, #tpu.memory_space<semaphore_mem>>
      %dma_start3A_7 = tpu.memref_slice %arg3[%mul3A_2] : memref<16384xi32, #tpu.memory_space<hbm>> -> memref<512xi32, #tpu.memory_space<hbm>>
      %dma_start3A_8 = tpu.memref_slice %arg3[%mul3A_2] : memref<16384xi32, #tpu.memory_space<hbm>> -> memref<512xi32, #tpu.memory_space<hbm>>
      tpu.enqueue_dma source(%dma_start3A_8 : memref<512xi32, #tpu.memory_space<hbm>>) target(%arg5 : memref<512xi32, #tpu.memory_space<vmem>>) target_semaphore(%run_scoped3A : memref<!tpu.dma_semaphore, #tpu.memory_space<semaphore_mem>>)
      %dma_wait3A_9 = tpu.memref_slice %arg3[%mul3A_2] : memref<16384xi32, #tpu.memory_space<hbm>> -> memref<512xi32, #tpu.memory_space<hbm>>
      %dma_wait3A_10 = tpu.memref_slice %arg3[%mul3A_2] : memref<16384xi32, #tpu.memory_space<hbm>> -> memref<512xi32, #tpu.memory_space<hbm>>
      tpu.wait_dma2 semaphore(%run_scoped3A : memref<!tpu.dma_semaphore, #tpu.memory_space<semaphore_mem>>) src(%dma_wait3A_10 : memref<512xi32, #tpu.memory_space<hbm>>) dst(%arg5 : memref<512xi32, #tpu.memory_space<vmem>>)
      tpu.yield
    }) : () -> ()
    %dma_start3A = arith.constant 0 : i32
    %dma_start3A_3 = arith.constant 0 : i32
    %dma_start3A_4 = tpu.memref_slice %arg2[%dma_start3A, %dma_start3A_3] : memref<253952x128xf32, #tpu.memory_space<hbm>> -> memref<253952x128xf32, #tpu.memory_space<hbm>>
    tpu.enqueue_indirect_dma source(%dma_start3A_4 : memref<253952x128xf32, #tpu.memory_space<hbm>>) target(%arg6 : memref<512x128xf32, #tpu.memory_space<vmem>>) offsets(%arg5 : memref<512xi32, #tpu.memory_space<vmem>>) semaphore(%arg7 : memref<!tpu.dma_semaphore, #tpu.memory_space<semaphore_mem>>)
    %dma_wait3A = arith.constant 0 : i32
    %dma_wait3A_5 = arith.constant 0 : i32
    %dma_wait3A_6 = tpu.memref_slice %arg2[%dma_wait3A, %dma_wait3A_5] : memref<253952x128xf32, #tpu.memory_space<hbm>> -> memref<253952x128xf32, #tpu.memory_space<hbm>>
    tpu.wait_indirect_dma semaphore(%arg7 : memref<!tpu.dma_semaphore, #tpu.memory_space<semaphore_mem>>) src(%dma_wait3A_6 : memref<253952x128xf32, #tpu.memory_space<hbm>>) dst(%arg6 : memref<512x128xf32, #tpu.memory_space<vmem>>)
    "tpu.region"() ({
      %run_scoped3A = tpu.sem_alloc : memref<!tpu.dma_semaphore, #tpu.memory_space<semaphore_mem>>
      %dma_start3A_7 = arith.constant 0 : i32
      %dma_start3A_8 = tpu.memref_slice %arg4[%mul3A_2, %dma_start3A_7] : memref<16384x128xf32, #tpu.memory_space<hbm>> -> memref<512x128xf32, #tpu.memory_space<hbm>>
      %dma_start3A_9 = arith.constant 0 : i32
      %dma_start3A_10 = tpu.memref_slice %arg4[%mul3A_2, %dma_start3A_9] : memref<16384x128xf32, #tpu.memory_space<hbm>> -> memref<512x128xf32, #tpu.memory_space<hbm>>
      tpu.enqueue_dma source(%arg6 : memref<512x128xf32, #tpu.memory_space<vmem>>) target(%dma_start3A_10 : memref<512x128xf32, #tpu.memory_space<hbm>>) target_semaphore(%run_scoped3A : memref<!tpu.dma_semaphore, #tpu.memory_space<semaphore_mem>>)
      %dma_wait3A_11 = arith.constant 0 : i32
      %dma_wait3A_12 = tpu.memref_slice %arg4[%mul3A_2, %dma_wait3A_11] : memref<16384x128xf32, #tpu.memory_space<hbm>> -> memref<512x128xf32, #tpu.memory_space<hbm>>
      %dma_wait3A_13 = arith.constant 0 : i32
      %dma_wait3A_14 = tpu.memref_slice %arg4[%mul3A_2, %dma_wait3A_13] : memref<16384x128xf32, #tpu.memory_space<hbm>> -> memref<512x128xf32, #tpu.memory_space<hbm>>
      tpu.wait_dma2 semaphore(%run_scoped3A : memref<!tpu.dma_semaphore, #tpu.memory_space<semaphore_mem>>) src(%arg6 : memref<512x128xf32, #tpu.memory_space<vmem>>) dst(%dma_wait3A_14 : memref<512x128xf32, #tpu.memory_space<hbm>>)
      tpu.yield
    }) : () -> ()
    return
  }
}

module attributes {stable_mosaic.version = 14 : i64} {
  func.func @_normalize_body(%arg0: memref<16384x128xf32, #tpu.memory_space<vmem>>, %arg1: memref<16384x1xi32, #tpu.memory_space<vmem>>, %arg2: memref<16384x32xf32, #tpu.memory_space<vmem>>) attributes {dimension_semantics = [], scalar_prefetch = 0 : i64, scratch_operands = 0 : i64, tpu.core_type = #tpu.core_type<tc>} {
    %get3A = arith.constant 0 : index
    %get3A_0 = arith.constant 0 : index
    %get3A_1 = vector.load %arg0[%get3A, %get3A_0] : memref<16384x128xf32, #tpu.memory_space<vmem>>, vector<16384x128xf32>
    %get3A_2 = arith.constant 0 : index
    %get3A_3 = arith.constant 0 : index
    %get3A_4 = vector.load %arg1[%get3A_2, %get3A_3] : memref<16384x1xi32, #tpu.memory_space<vmem>>, vector<16384x1xi32>
    %iota3A = tpu.iota {dimensions = array<i32: 1>} : vector<16384x128xi32>
    %jit3A = arith.constant 32 : i32
    %div3A = vector.broadcast %jit3A : i32 to vector<16384x128xi32>
    %div3A_5 = arith.divsi %iota3A, %div3A : vector<16384x128xi32>
    %sign3A = arith.constant 0 : i32
    %sign3A_6 = vector.broadcast %sign3A : i32 to vector<16384x128xi32>
    %sign3A_7 = arith.cmpi sgt, %iota3A, %sign3A_6 : vector<16384x128xi32>
    %sign3A_8 = arith.extui %sign3A_7 : vector<16384x128xi1> to vector<16384x128xi32>
    %sign3A_9 = arith.constant 0 : i32
    %sign3A_10 = vector.broadcast %sign3A_9 : i32 to vector<16384x128xi32>
    %sign3A_11 = arith.cmpi slt, %iota3A, %sign3A_10 : vector<16384x128xi32>
    %sign3A_12 = arith.extui %sign3A_11 : vector<16384x128xi1> to vector<16384x128xi32>
    %sign3A_13 = arith.subi %sign3A_8, %sign3A_12 : vector<16384x128xi32>
    %sign3A_14 = arith.constant 0 : i32
    %sign3A_15 = arith.cmpi sgt, %jit3A, %sign3A_14 : i32
    %sign3A_16 = arith.extui %sign3A_15 : i1 to i32
    %sign3A_17 = arith.constant 0 : i32
    %sign3A_18 = arith.cmpi slt, %jit3A, %sign3A_17 : i32
    %sign3A_19 = arith.extui %sign3A_18 : i1 to i32
    %sign3A_20 = arith.subi %sign3A_16, %sign3A_19 : i32
    %ne3A = vector.broadcast %sign3A_20 : i32 to vector<16384x128xi32>
    %ne3A_21 = arith.cmpi ne, %sign3A_13, %ne3A : vector<16384x128xi32>
    %rem3A = vector.broadcast %jit3A : i32 to vector<16384x128xi32>
    %rem3A_22 = arith.remsi %iota3A, %rem3A : vector<16384x128xi32>
    %ne3A_23 = arith.constant 0 : i32
    %ne3A_24 = vector.broadcast %ne3A_23 : i32 to vector<16384x128xi32>
    %ne3A_25 = arith.cmpi ne, %rem3A_22, %ne3A_24 : vector<16384x128xi32>
    %and3A = arith.andi %ne3A_21, %ne3A_25 : vector<16384x128xi1>
    %sub3A = arith.constant 1 : i32
    %sub3A_26 = vector.broadcast %sub3A : i32 to vector<16384x128xi32>
    %sub3A_27 = arith.subi %div3A_5, %sub3A_26 : vector<16384x128xi32>
    %select_n3A = arith.select %and3A, %sub3A_27, %div3A_5 : vector<16384x128xi1>, vector<16384x128xi32>
    %eq3A = vector.broadcast %get3A_4 : vector<16384x1xi32> to vector<16384x128xi32>
    %eq3A_28 = arith.cmpi eq, %eq3A, %select_n3A : vector<16384x128xi32>
    %jit3A_29 = arith.constant 0.000000e+00 : f32
    %broadcast_in_dim3A = vector.broadcast %jit3A_29 : f32 to vector<16384x128xf32>
    %select_n3A_30 = arith.select %eq3A_28, %get3A_1, %broadcast_in_dim3A : vector<16384x128xi1>, vector<16384x128xf32>
    %slice3A = vector.extract_strided_slice %select_n3A_30 {offsets = [0, 0], sizes = [16384, 32], strides = [1, 1]} : vector<16384x128xf32> to vector<16384x32xf32>
    %slice3A_31 = vector.extract_strided_slice %select_n3A_30 {offsets = [0, 32], sizes = [16384, 32], strides = [1, 1]} : vector<16384x128xf32> to vector<16384x32xf32>
    %add3A = arith.addf %slice3A, %slice3A_31 : vector<16384x32xf32>
    %slice3A_32 = vector.extract_strided_slice %select_n3A_30 {offsets = [0, 64], sizes = [16384, 32], strides = [1, 1]} : vector<16384x128xf32> to vector<16384x32xf32>
    %add3A_33 = arith.addf %add3A, %slice3A_32 : vector<16384x32xf32>
    %slice3A_34 = vector.extract_strided_slice %select_n3A_30 {offsets = [0, 96], sizes = [16384, 32], strides = [1, 1]} : vector<16384x128xf32> to vector<16384x32xf32>
    %add3A_35 = arith.addf %add3A_33, %slice3A_34 : vector<16384x32xf32>
    %mul3A = arith.mulf %add3A_35, %add3A_35 : vector<16384x32xf32>
    %reduce_sum3A = arith.constant dense<0.000000e+00> : vector<32xf32>
    %reduce_sum3A_36 = vector.multi_reduction <add>, %mul3A, %reduce_sum3A [0] : vector<16384x32xf32> to vector<32xf32>
    %mul3A_37 = arith.constant 6.10351563E-5 : f32
    %mul3A_38 = vector.broadcast %mul3A_37 : f32 to vector<32xf32>
    %mul3A_39 = arith.mulf %reduce_sum3A_36, %mul3A_38 : vector<32xf32>
    %rsqrt3A = math.rsqrt %mul3A_39 : vector<32xf32>
    %broadcast_in_dim3A_40 = vector.shape_cast %rsqrt3A : vector<32xf32> to vector<1x32xf32>
    %mul3A_41 = vector.broadcast %broadcast_in_dim3A_40 : vector<1x32xf32> to vector<16384x32xf32>
    %mul3A_42 = arith.mulf %add3A_35, %mul3A_41 : vector<16384x32xf32>
    %swap3A = arith.constant 0 : index
    %swap3A_43 = arith.constant 0 : index
    %swap3A_44 = vector.load %arg2[%swap3A, %swap3A_43] : memref<16384x32xf32, #tpu.memory_space<vmem>>, vector<16384x32xf32>
    tpu.vector_store %arg2[%swap3A, %swap3A_43], %mul3A_42 {strides = array<i32>} : memref<16384x32xf32, #tpu.memory_space<vmem>>, vector<16384x32xf32>,
    return
  }
}

module attributes {stable_mosaic.version = 14 : i64} {
  func.func @_widen_body(%arg0: i32, %arg1: memref<32x32768xf32, #tpu.memory_space<vmem>>, %arg2: memref<8192x128xf32, #tpu.memory_space<vmem>>) attributes {dimension_semantics = [#tpu.dimension_semantics<parallel>], iteration_bounds = array<i64: 31>, scalar_prefetch = 0 : i64, scratch_operands = 0 : i64, tpu.core_type = #tpu.core_type<tc>, window_params = [{transform_indices = @transform_0, window_bounds = array<i64: 32, 32768>}, {transform_indices = @transform_1, window_bounds = array<i64: 8192, 128>}]} {
    %get3A = arith.constant 0 : index
    %get3A_0 = arith.constant 0 : index
    %get3A_1 = vector.load %arg1[%get3A, %get3A_0] : memref<32x32768xf32, #tpu.memory_space<vmem>>, vector<32x32768xf32>
    %transpose3A = tpu.transpose %get3A_1, [1, 0] : vector<32x32768xf32> -> vector<32768x32xf32>
    %slice3A = vector.extract_strided_slice %transpose3A {offsets = [0, 0], sizes = [128, 32], strides = [1, 1]} : vector<32768x32xf32> to vector<128x32xf32>
    %swap3A = arith.constant 0 : index
    %swap3A_2 = arith.constant 0 : index
    %swap3A_3 = vector.load %arg2[%swap3A, %swap3A_2] : memref<8192x128xf32, #tpu.memory_space<vmem>>, vector<128x32xf32>
    tpu.vector_store %arg2[%swap3A, %swap3A_2], %slice3A {strides = array<i32>} : memref<8192x128xf32, #tpu.memory_space<vmem>>, vector<128x32xf32>,
    %slice3A_4 = vector.extract_strided_slice %transpose3A {offsets = [128, 0], sizes = [128, 32], strides = [1, 1]} : vector<32768x32xf32> to vector<128x32xf32>
    %swap3A_5 = arith.constant 0 : index
    %swap3A_6 = arith.constant 32 : index
    %swap3A_7 = vector.load %arg2[%swap3A_5, %swap3A_6] : memref<8192x128xf32, #tpu.memory_space<vmem>>, vector<128x32xf32>
    tpu.vector_store %arg2[%swap3A_5, %swap3A_6], %slice3A_4 {strides = array<i32>} : memref<8192x128xf32, #tpu.memory_space<vmem>>, vector<128x32xf32>,
    %slice3A_8 = vector.extract_strided_slice %transpose3A {offsets = [256, 0], sizes = [128, 32], strides = [1, 1]} : vector<32768x32xf32> to vector<128x32xf32>
    %swap3A_9 = arith.constant 0 : index
    %swap3A_10 = arith.constant 64 : index
    %swap3A_11 = vector.load %arg2[%swap3A_9, %swap3A_10] : memref<8192x128xf32, #tpu.memory_space<vmem>>, vector<128x32xf32>
    tpu.vector_store %arg2[%swap3A_9, %swap3A_10], %slice3A_8 {strides = array<i32>} : memref<8192x128xf32, #tpu.memory_space<vmem>>, vector<128x32xf32>,
    %slice3A_12 = vector.extract_strided_slice %transpose3A {offsets = [384, 0], sizes = [128, 32], strides = [1, 1]} : vector<32768x32xf32> to vector<128x32xf32>
    %swap3A_13 = arith.constant 0 : index
    %swap3A_14 = arith.constant 96 : index
    %swap3A_15 = vector.load %arg2[%swap3A_13, %swap3A_14] : memref<8192x128xf32, #tpu.memory_space<vmem>>, vector<128x32xf32>
    tpu.vector_store %arg2[%swap3A_13, %swap3A_14], %slice3A_12 {strides = array<i32>} : memref<8192x128xf32, #tpu.memory_space<vmem>>, vector<128x32xf32>,
    %slice3A_16 = vector.extract_strided_slice %transpose3A {offsets = [512, 0], sizes = [128, 32], strides = [1, 1]} : vector<32768x32xf32> to vector<128x32xf32>
    %swap3A_17 = arith.constant 128 : index
    %swap3A_18 = arith.constant 0 : index
    %swap3A_19 = vector.load %arg2[%swap3A_17, %swap3A_18] : memref<8192x128xf32, #tpu.memory_space<vmem>>, vector<128x32xf32>
    tpu.vector_store %arg2[%swap3A_17, %swap3A_18], %slice3A_16 {strides = array<i32>} : memref<8192x128xf32, #tpu.memory_space<vmem>>, vector<128x32xf32>,
    %slice3A_20 = vector.extract_strided_slice %transpose3A {offsets = [640, 0], sizes = [128, 32], strides = [1, 1]} : vector<32768x32xf32> to vector<128x32xf32>
    %swap3A_21 = arith.constant 128 : index
    %swap3A_22 = arith.constant 32 : index
    %swap3A_23 = vector.load %arg2[%swap3A_21, %swap3A_22] : memref<8192x128xf32, #tpu.memory_space<vmem>>, vector<128x32xf32>
    tpu.vector_store %arg2[%swap3A_21, %swap3A_22], %slice3A_20 {strides = array<i32>} : memref<8192x128xf32, #tpu.memory_space<vmem>>, vector<128x32xf32>,
    %slice3A_24 = vector.extract_strided_slice %transpose3A {offsets = [768, 0], sizes = [128, 32], strides = [1, 1]} : vector<32768x32xf32> to vector<128x32xf32>
    %swap3A_25 = arith.constant 128 : index
    %swap3A_26 = arith.constant 64 : index
    %swap3A_27 = vector.load %arg2[%swap3A_25, %swap3A_26] : memref<8192x128xf32, #tpu.memory_space<vmem>>, vector<128x32xf32>
    tpu.vector_store %arg2[%swap3A_25, %swap3A_26], %slice3A_24 {strides = array<i32>} : memref<8192x128xf32, #tpu.memory_space<vmem>>, vector<128x32xf32>,
    %slice3A_28 = vector.extract_strided_slice %transpose3A {offsets = [896, 0], sizes = [128, 32], strides = [1, 1]} : vector<32768x32xf32> to vector<128x32xf32>
    %swap3A_29 = arith.constant 128 : index
    %swap3A_30 = arith.constant 96 : index
    %swap3A_31 = vector.load %arg2[%swap3A_29, %swap3A_30] : memref<8192x128xf32, #tpu.memory_space<vmem>>, vector<128x32xf32>
    tpu.vector_store %arg2[%swap3A_29, %swap3A_30], %slice3A_28 {strides = array<i32>} : memref<8192x128xf32, #tpu.memory_space<vmem>>, vector<128x32xf32>,
    %slice3A_32 = vector.extract_strided_slice %transpose3A {offsets = [1024, 0], sizes = [128, 32], strides = [1, 1]} : vector<32768x32xf32> to vector<128x32xf32>
    %swap3A_33 = arith.constant 256 : index
    %swap3A_34 = arith.constant 0 : index
    %swap3A_35 = vector.load %arg2[%swap3A_33, %swap3A_34] : memref<8192x128xf32, #tpu.memory_space<vmem>>, vector<128x32xf32>
    tpu.vector_store %arg2[%swap3A_33, %swap3A_34], %slice3A_32 {strides = array<i32>} : memref<8192x128xf32, #tpu.memory_space<vmem>>, vector<128x32xf32>,
    %slice3A_36 = vector.extract_strided_slice %transpose3A {offsets = [1152, 0], sizes = [128, 32], strides = [1, 1]} : vector<32768x32xf32> to vector<128x32xf32>
    %swap3A_37 = arith.constant 256 : index
    %swap3A_38 = arith.constant 32 : index
    %swap3A_39 = vector.load %arg2[%swap3A_37, %swap3A_38] : memref<8192x128xf32, #tpu.memory_space<vmem>>, vector<128x32xf32>
    tpu.vector_store %arg2[%swap3A_37, %swap3A_38], %slice3A_36 {strides = array<i32>} : memref<8192x128xf32, #tpu.memory_space<vmem>>, vector<128x32xf32>,
    %slice3A_40 = vector.extract_strided_slice %transpose3A {offsets = [1280, 0], sizes = [128, 32], strides = [1, 1]} : vector<32768x32xf32> to vector<128x32xf32>
    %swap3A_41 = arith.constant 256 : index
    %swap3A_42 = arith.constant 64 : index
    %swap3A_43 = vector.load %arg2[%swap3A_41, %swap3A_42] : memref<8192x128xf32, #tpu.memory_space<vmem>>, vector<128x32xf32>
    tpu.vector_store %arg2[%swap3A_41, %swap3A_42], %slice3A_40 {strides = array<i32>} : memref<8192x128xf32, #tpu.memory_space<vmem>>, vector<128x32xf32>,
    %slice3A_44 = vector.extract_strided_slice %transpose3A {offsets = [1408, 0], sizes = [128, 32], strides = [1, 1]} : vector<32768x32xf32> to vector<128x32xf32>
    %swap3A_45 = arith.constant 256 : index
    %swap3A_46 = arith.constant 96 : index
    %swap3A_47 = vector.load %arg2[%swap3A_45, %swap3A_46] : memref<8192x128xf32, #tpu.memory_space<vmem>>, vector<128x32xf32>
    tpu.vector_store %arg2[%swap3A_45, %swap3A_46], %slice3A_44 {strides = array<i32>} : memref<8192x128xf32, #tpu.memory_space<vmem>>, vector<128x32xf32>,
    %slice3A_48 = vector.extract_strided_slice %transpose3A {offsets = [1536, 0], sizes = [128, 32], strides = [1, 1]} : vector<32768x32xf32> to vector<128x32xf32>
    %swap3A_49 = arith.constant 384 : index
    %swap3A_50 = arith.constant 0 : index
    %swap3A_51 = vector.load %arg2[%swap3A_49, %swap3A_50] : memref<8192x128xf32, #tpu.memory_space<vmem>>, vector<128x32xf32>
    tpu.vector_store %arg2[%swap3A_49, %swap3A_50], %slice3A_48 {strides = array<i32>} : memref<8192x128xf32, #tpu.memory_space<vmem>>, vector<128x32xf32>,
    %slice3A_52 = vector.extract_strided_slice %transpose3A {offsets = [1664, 0], sizes = [128, 32], strides = [1, 1]} : vector<32768x32xf32> to vector<128x32xf32>
    %swap3A_53 = arith.constant 384 : index
    %swap3A_54 = arith.constant 32 : index
    %swap3A_55 = vector.load %arg2[%swap3A_53, %swap3A_54] : memref<8192x128xf32, #tpu.memory_space<vmem>>, vector<128x32xf32>
    tpu.vector_store %arg2[%swap3A_53, %swap3A_54], %slice3A_52 {strides = array<i32>} : memref<8192x128xf32, #tpu.memory_space<vmem>>, vector<128x32xf32>,
    %slice3A_56 = vector.extract_strided_slice %transpose3A {offsets = [1792, 0], sizes = [128, 32], strides = [1, 1]} : vector<32768x32xf32> to vector<128x32xf32>
    %swap3A_57 = arith.constant 384 : index
    %swap3A_58 = arith.constant 64 : index
    %swap3A_59 = vector.load %arg2[%swap3A_57, %swap3A_58] : memref<8192x128xf32, #tpu.memory_space<vmem>>, vector<128x32xf32>
    tpu.vector_store %arg2[%swap3A_57, %swap3A_58], %slice3A_56 {strides = array<i32>} : memref<8192x128xf32, #tpu.memory_space<vmem>>, vector<128x32xf32>,
    %slice3A_60 = vector.extract_strided_slice %transpose3A {offsets = [1920, 0], sizes = [128, 32], strides = [1, 1]} : vector<32768x32xf32> to vector<128x32xf32>
    %swap3A_61 = arith.constant 384 : index
    %swap3A_62 = arith.constant 96 : index
    %swap3A_63 = vector.load %arg2[%swap3A_61, %swap3A_62] : memref<8192x128xf32, #tpu.memory_space<vmem>>, vector<128x32xf32>
    tpu.vector_store %arg2[%swap3A_61, %swap3A_62], %slice3A_60 {strides = array<i32>} : memref<8192x128xf32, #tpu.memory_space<vmem>>, vector<128x32xf32>,
    %slice3A_64 = vector.extract_strided_slice %transpose3A {offsets = [2048, 0], sizes = [128, 32], strides = [1, 1]} : vector<32768x32xf32> to vector<128x32xf32>
    %swap3A_65 = arith.constant 512 : index
    %swap3A_66 = arith.constant 0 : index
    %swap3A_67 = vector.load %arg2[%swap3A_65, %swap3A_66] : memref<8192x128xf32, #tpu.memory_space<vmem>>, vector<128x32xf32>
    tpu.vector_store %arg2[%swap3A_65, %swap3A_66], %slice3A_64 {strides = array<i32>} : memref<8192x128xf32, #tpu.memory_space<vmem>>, vector<128x32xf32>,
    %slice3A_68 = vector.extract_strided_slice %transpose3A {offsets = [2176, 0], sizes = [128, 32], strides = [1, 1]} : vector<32768x32xf32> to vector<128x32xf32>
    %swap3A_69 = arith.constant 512 : index
    %swap3A_70 = arith.constant 32 : index
    %swap3A_71 = vector.load %arg2[%swap3A_69, %swap3A_70] : memref<8192x128xf32, #tpu.memory_space<vmem>>, vector<128x32xf32>
    tpu.vector_store %arg2[%swap3A_69, %swap3A_70], %slice3A_68 {strides = array<i32>} : memref<8192x128xf32, #tpu.memory_space<vmem>>, vector<128x32xf32>,
    %slice3A_72 = vector.extract_strided_slice %transpose3A {offsets = [2304, 0], sizes = [128, 32], strides = [1, 1]} : vector<32768x32xf32> to vector<128x32xf32>
    %swap3A_73 = arith.constant 512 : index
    %swap3A_74 = arith.constant 64 : index
    %swap3A_75 = vector.load %arg2[%swap3A_73, %swap3A_74] : memref<8192x128xf32, #tpu.memory_space<vmem>>, vector<128x32xf32>
    tpu.vector_store %arg2[%swap3A_73, %swap3A_74], %slice3A_72 {strides = array<i32>} : memref<8192x128xf32, #tpu.memory_space<vmem>>, vector<128x32xf32>,
    %slice3A_76 = vector.extract_strided_slice %transpose3A {offsets = [2432, 0], sizes = [128, 32], strides = [1, 1]} : vector<32768x32xf32> to vector<128x32xf32>
    %swap3A_77 = arith.constant 512 : index
    %swap3A_78 = arith.constant 96 : index
    %swap3A_79 = vector.load %arg2[%swap3A_77, %swap3A_78] : memref<8192x128xf32, #tpu.memory_space<vmem>>, vector<128x32xf32>
    tpu.vector_store %arg2[%swap3A_77, %swap3A_78], %slice3A_76 {strides = array<i32>} : memref<8192x128xf32, #tpu.memory_space<vmem>>, vector<128x32xf32>,
    %slice3A_80 = vector.extract_strided_slice %transpose3A {offsets = [2560, 0], sizes = [128, 32], strides = [1, 1]} : vector<32768x32xf32> to vector<128x32xf32>
    %swap3A_81 = arith.constant 640 : index
    %swap3A_82 = arith.constant 0 : index
    %swap3A_83 = vector.load %arg2[%swap3A_81, %swap3A_82] : memref<8192x128xf32, #tpu.memory_space<vmem>>, vector<128x32xf32>
    tpu.vector_store %arg2[%swap3A_81, %swap3A_82], %slice3A_80 {strides = array<i32>} : memref<8192x128xf32, #tpu.memory_space<vmem>>, vector<128x32xf32>,
    %slice3A_84 = vector.extract_strided_slice %transpose3A {offsets = [2688, 0], sizes = [128, 32], strides = [1, 1]} : vector<32768x32xf32> to vector<128x32xf32>
    %swap3A_85 = arith.constant 640 : index
    %swap3A_86 = arith.constant 32 : index
    %swap3A_87 = vector.load %arg2[%swap3A_85, %swap3A_86] : memref<8192x128xf32, #tpu.memory_space<vmem>>, vector<128x32xf32>
    tpu.vector_store %arg2[%swap3A_85, %swap3A_86], %slice3A_84 {strides = array<i32>} : memref<8192x128xf32, #tpu.memory_space<vmem>>, vector<128x32xf32>,
    %slice3A_88 = vector.extract_strided_slice %transpose3A {offsets = [2816, 0], sizes = [128, 32], strides = [1, 1]} : vector<32768x32xf32> to vector<128x32xf32>
    %swap3A_89 = arith.constant 640 : index
    %swap3A_90 = arith.constant 64 : index
    %swap3A_91 = vector.load %arg2[%swap3A_89, %swap3A_90] : memref<8192x128xf32, #tpu.memory_space<vmem>>, vector<128x32xf32>
    tpu.vector_store %arg2[%swap3A_89, %swap3A_90], %slice3A_88 {strides = array<i32>} : memref<8192x128xf32, #tpu.memory_space<vmem>>, vector<128x32xf32>,
    %slice3A_92 = vector.extract_strided_slice %transpose3A {offsets = [2944, 0], sizes = [128, 32], strides = [1, 1]} : vector<32768x32xf32> to vector<128x32xf32>
    %swap3A_93 = arith.constant 640 : index
    %swap3A_94 = arith.constant 96 : index
    %swap3A_95 = vector.load %arg2[%swap3A_93, %swap3A_94] : memref<8192x128xf32, #tpu.memory_space<vmem>>, vector<128x32xf32>
    tpu.vector_store %arg2[%swap3A_93, %swap3A_94], %slice3A_92 {strides = array<i32>} : memref<8192x128xf32, #tpu.memory_space<vmem>>, vector<128x32xf32>,
    %slice3A_96 = vector.extract_strided_slice %transpose3A {offsets = [3072, 0], sizes = [128, 32], strides = [1, 1]} : vector<32768x32xf32> to vector<128x32xf32>
    %swap3A_97 = arith.constant 768 : index
    %swap3A_98 = arith.constant 0 : index
    %swap3A_99 = vector.load %arg2[%swap3A_97, %swap3A_98] : memref<8192x128xf32, #tpu.memory_space<vmem>>, vector<128x32xf32>
    tpu.vector_store %arg2[%swap3A_97, %swap3A_98], %slice3A_96 {strides = array<i32>} : memref<8192x128xf32, #tpu.memory_space<vmem>>, vector<128x32xf32>,
    %slice3A_100 = vector.extract_strided_slice %transpose3A {offsets = [3200, 0], sizes = [128, 32], strides = [1, 1]} : vector<32768x32xf32> to vector<128x32xf32>
    %swap3A_101 = arith.constant 768 : index
    %swap3A_102 = arith.constant 32 : index
    %swap3A_103 = vector.load %arg2[%swap3A_101, %swap3A_102] : memref<8192x128xf32, #tpu.memory_space<vmem>>, vector<128x32xf32>
    tpu.vector_store %arg2[%swap3A_101, %swap3A_102], %slice3A_100 {strides = array<i32>} : memref<8192x128xf32, #tpu.memory_space<vmem>>, vector<128x32xf32>,
    %slice3A_104 = vector.extract_strided_slice %transpose3A {offsets = [3328, 0], sizes = [128, 32], strides = [1, 1]} : vector<32768x32xf32> to vector<128x32xf32>
    %swap3A_105 = arith.constant 768 : index
    %swap3A_106 = arith.constant 64 : index
    %swap3A_107 = vector.load %arg2[%swap3A_105, %swap3A_106] : memref<8192x128xf32, #tpu.memory_space<vmem>>, vector<128x32xf32>
    tpu.vector_store %arg2[%swap3A_105, %swap3A_106], %slice3A_104 {strides = array<i32>} : memref<8192x128xf32, #tpu.memory_space<vmem>>, vector<128x32xf32>,
    %slice3A_108 = vector.extract_strided_slice %transpose3A {offsets = [3456, 0], sizes = [128, 32], strides = [1, 1]} : vector<32768x32xf32> to vector<128x32xf32>
    %swap3A_109 = arith.constant 768 : index
    %swap3A_110 = arith.constant 96 : index
    %swap3A_111 = vector.load %arg2[%swap3A_109, %swap3A_110] : memref<8192x128xf32, #tpu.memory_space<vmem>>, vector<128x32xf32>
    tpu.vector_store %arg2[%swap3A_109, %swap3A_110], %slice3A_108 {strides = array<i32>} : memref<8192x128xf32, #tpu.memory_space<vmem>>, vector<128x32xf32>,
    %slice3A_112 = vector.extract_strided_slice %transpose3A {offsets = [3584, 0], sizes = [128, 32], strides = [1, 1]} : vector<32768x32xf32> to vector<128x32xf32>
    %swap3A_113 = arith.constant 896 : index
    %swap3A_114 = arith.constant 0 : index
    %swap3A_115 = vector.load %arg2[%swap3A_113, %swap3A_114] : memref<8192x128xf32, #tpu.memory_space<vmem>>, vector<128x32xf32>
    tpu.vector_store %arg2[%swap3A_113, %swap3A_114], %slice3A_112 {strides = array<i32>} : memref<8192x128xf32, #tpu.memory_space<vmem>>, vector<128x32xf32>,
    %slice3A_116 = vector.extract_strided_slice %transpose3A {offsets = [3712, 0], sizes = [128, 32], strides = [1, 1]} : vector<32768x32xf32> to vector<128x32xf32>
    %swap3A_117 = arith.constant 896 : index
    %swap3A_118 = arith.constant 32 : index
    %swap3A_119 = vector.load %arg2[%swap3A_117, %swap3A_118] : memref<8192x128xf32, #tpu.memory_space<vmem>>, vector<128x32xf32>
    tpu.vector_store %arg2[%swap3A_117, %swap3A_118], %slice3A_116 {strides = array<i32>} : memref<8192x128xf32, #tpu.memory_space<vmem>>, vector<128x32xf32>,
    %slice3A_120 = vector.extract_strided_slice %transpose3A {offsets = [3840, 0], sizes = [128, 32], strides = [1, 1]} : vector<32768x32xf32> to vector<128x32xf32>
    %swap3A_121 = arith.constant 896 : index
    %swap3A_122 = arith.constant 64 : index
    %swap3A_123 = vector.load %arg2[%swap3A_121, %swap3A_122] : memref<8192x128xf32, #tpu.memory_space<vmem>>, vector<128x32xf32>
    tpu.vector_store %arg2[%swap3A_121, %swap3A_122], %slice3A_120 {strides = array<i32>} : memref<8192x128xf32, #tpu.memory_space<vmem>>, vector<128x32xf32>,
    %slice3A_124 = vector.extract_strided_slice %transpose3A {offsets = [3968, 0], sizes = [128, 32], strides = [1, 1]} : vector<32768x32xf32> to vector<128x32xf32>
    %swap3A_125 = arith.constant 896 : index
    %swap3A_126 = arith.constant 96 : index
    %swap3A_127 = vector.load %arg2[%swap3A_125, %swap3A_126] : memref<8192x128xf32, #tpu.memory_space<vmem>>, vector<128x32xf32>
    tpu.vector_store %arg2[%swap3A_125, %swap3A_126], %slice3A_124 {strides = array<i32>} : memref<8192x128xf32, #tpu.memory_space<vmem>>, vector<128x32xf32>,
    %slice3A_128 = vector.extract_strided_slice %transpose3A {offsets = [4096, 0], sizes = [128, 32], strides = [1, 1]} : vector<32768x32xf32> to vector<128x32xf32>
    %swap3A_129 = arith.constant 1024 : index
    %swap3A_130 = arith.constant 0 : index
    %swap3A_131 = vector.load %arg2[%swap3A_129, %swap3A_130] : memref<8192x128xf32, #tpu.memory_space<vmem>>, vector<128x32xf32>
    tpu.vector_store %arg2[%swap3A_129, %swap3A_130], %slice3A_128 {strides = array<i32>} : memref<8192x128xf32, #tpu.memory_space<vmem>>, vector<128x32xf32>,
    %slice3A_132 = vector.extract_strided_slice %transpose3A {offsets = [4224, 0], sizes = [128, 32], strides = [1, 1]} : vector<32768x32xf32> to vector<128x32xf32>
    %swap3A_133 = arith.constant 1024 : index
    %swap3A_134 = arith.constant 32 : index
    %swap3A_135 = vector.load %arg2[%swap3A_133, %swap3A_134] : memref<8192x128xf32, #tpu.memory_space<vmem>>, vector<128x32xf32>
    tpu.vector_store %arg2[%swap3A_133, %swap3A_134], %slice3A_132 {strides = array<i32>} : memref<8192x128xf32, #tpu.memory_space<vmem>>, vector<128x32xf32>,
    %slice3A_136 = vector.extract_strided_slice %transpose3A {offsets = [4352, 0], sizes = [128, 32], strides = [1, 1]} : vector<32768x32xf32> to vector<128x32xf32>
    %swap3A_137 = arith.constant 1024 : index
    %swap3A_138 = arith.constant 64 : index
    %swap3A_139 = vector.load %arg2[%swap3A_137, %swap3A_138] : memref<8192x128xf32, #tpu.memory_space<vmem>>, vector<128x32xf32>
    tpu.vector_store %arg2[%swap3A_137, %swap3A_138], %slice3A_136 {strides = array<i32>} : memref<8192x128xf32, #tpu.memory_space<vmem>>, vector<128x32xf32>,
    %slice3A_140 = vector.extract_strided_slice %transpose3A {offsets = [4480, 0], sizes = [128, 32], strides = [1, 1]} : vector<32768x32xf32> to vector<128x32xf32>
    %swap3A_141 = arith.constant 1024 : index
    %swap3A_142 = arith.constant 96 : index
    %swap3A_143 = vector.load %arg2[%swap3A_141, %swap3A_142] : memref<8192x128xf32, #tpu.memory_space<vmem>>, vector<128x32xf32>
    tpu.vector_store %arg2[%swap3A_141, %swap3A_142], %slice3A_140 {strides = array<i32>} : memref<8192x128xf32, #tpu.memory_space<vmem>>, vector<128x32xf32>,
    %slice3A_144 = vector.extract_strided_slice %transpose3A {offsets = [4608, 0], sizes = [128, 32], strides = [1, 1]} : vector<32768x32xf32> to vector<128x32xf32>
    %swap3A_145 = arith.constant 1152 : index
    %swap3A_146 = arith.constant 0 : index
    %swap3A_147 = vector.load %arg2[%swap3A_145, %swap3A_146] : memref<8192x128xf32, #tpu.memory_space<vmem>>, vector<128x32xf32>
    tpu.vector_store %arg2[%swap3A_145, %swap3A_146], %slice3A_144 {strides = array<i32>} : memref<8192x128xf32, #tpu.memory_space<vmem>>, vector<128x32xf32>,
    %slice3A_148 = vector.extract_strided_slice %transpose3A {offsets = [4736, 0], sizes = [128, 32], strides = [1, 1]} : vector<32768x32xf32> to vector<128x32xf32>
    %swap3A_149 = arith.constant 1152 : index
    %swap3A_150 = arith.constant 32 : index
    %swap3A_151 = vector.load %arg2[%swap3A_149, %swap3A_150] : memref<8192x128xf32, #tpu.memory_space<vmem>>, vector<128x32xf32>
    tpu.vector_store %arg2[%swap3A_149, %swap3A_150], %slice3A_148 {strides = array<i32>} : memref<8192x128xf32, #tpu.memory_space<vmem>>, vector<128x32xf32>,
    %slice3A_152 = vector.extract_strided_slice %transpose3A {offsets = [4864, 0], sizes = [128, 32], strides = [1, 1]} : vector<32768x32xf32> to vector<128x32xf32>
    %swap3A_153 = arith.constant 1152 : index
    %swap3A_154 = arith.constant 64 : index
    %swap3A_155 = vector.load %arg2[%swap3A_153, %swap3A_154] : memref<8192x128xf32, #tpu.memory_space<vmem>>, vector<128x32xf32>
    tpu.vector_store %arg2[%swap3A_153, %swap3A_154], %slice3A_152 {strides = array<i32>} : memref<8192x128xf32, #tpu.memory_space<vmem>>, vector<128x32xf32>,
    %slice3A_156 = vector.extract_strided_slice %transpose3A {offsets = [4992, 0], sizes = [128, 32], strides = [1, 1]} : vector<32768x32xf32> to vector<128x32xf32>
    %swap3A_157 = arith.constant 1152 : index
    %swap3A_158 = arith.constant 96 : index
    %swap3A_159 = vector.load %arg2[%swap3A_157, %swap3A_158] : memref<8192x128xf32, #tpu.memory_space<vmem>>, vector<128x32xf32>
    tpu.vector_store %arg2[%swap3A_157, %swap3A_158], %slice3A_156 {strides = array<i32>} : memref<8192x128xf32, #tpu.memory_space<vmem>>, vector<128x32xf32>,
    %slice3A_160 = vector.extract_strided_slice %transpose3A {offsets = [5120, 0], sizes = [128, 32], strides = [1, 1]} : vector<32768x32xf32> to vector<128x32xf32>
    %swap3A_161 = arith.constant 1280 : index
    %swap3A_162 = arith.constant 0 : index
    %swap3A_163 = vector.load %arg2[%swap3A_161, %swap3A_162] : memref<8192x128xf32, #tpu.memory_space<vmem>>, vector<128x32xf32>
    tpu.vector_store %arg2[%swap3A_161, %swap3A_162], %slice3A_160 {strides = array<i32>} : memref<8192x128xf32, #tpu.memory_space<vmem>>, vector<128x32xf32>,
    %slice3A_164 = vector.extract_strided_slice %transpose3A {offsets = [5248, 0], sizes = [128, 32], strides = [1, 1]} : vector<32768x32xf32> to vector<128x32xf32>
    %swap3A_165 = arith.constant 1280 : index
    %swap3A_166 = arith.constant 32 : index
    %swap3A_167 = vector.load %arg2[%swap3A_165, %swap3A_166] : memref<8192x128xf32, #tpu.memory_space<vmem>>, vector<128x32xf32>
    tpu.vector_store %arg2[%swap3A_165, %swap3A_166], %slice3A_164 {strides = array<i32>} : memref<8192x128xf32, #tpu.memory_space<vmem>>, vector<128x32xf32>,
    %slice3A_168 = vector.extract_strided_slice %transpose3A {offsets = [5376, 0], sizes = [128, 32], strides = [1, 1]} : vector<32768x32xf32> to vector<128x32xf32>
    %swap3A_169 = arith.constant 1280 : index
    %swap3A_170 = arith.constant 64 : index
    %swap3A_171 = vector.load %arg2[%swap3A_169, %swap3A_170] : memref<8192x128xf32, #tpu.memory_space<vmem>>, vector<128x32xf32>
    tpu.vector_store %arg2[%swap3A_169, %swap3A_170], %slice3A_168 {strides = array<i32>} : memref<8192x128xf32, #tpu.memory_space<vmem>>, vector<128x32xf32>,
    %slice3A_172 = vector.extract_strided_slice %transpose3A {offsets = [5504, 0], sizes = [128, 32], strides = [1, 1]} : vector<32768x32xf32> to vector<128x32xf32>
    %swap3A_173 = arith.constant 1280 : index
    %swap3A_174 = arith.constant 96 : index
    %swap3A_175 = vector.load %arg2[%swap3A_173, %swap3A_174] : memref<8192x128xf32, #tpu.memory_space<vmem>>, vector<128x32xf32>
    tpu.vector_store %arg2[%swap3A_173, %swap3A_174], %slice3A_172 {strides = array<i32>} : memref<8192x128xf32, #tpu.memory_space<vmem>>, vector<128x32xf32>,
    %slice3A_176 = vector.extract_strided_slice %transpose3A {offsets = [5632, 0], sizes = [128, 32], strides = [1, 1]} : vector<32768x32xf32> to vector<128x32xf32>
    %swap3A_177 = arith.constant 1408 : index
    %swap3A_178 = arith.constant 0 : index
    %swap3A_179 = vector.load %arg2[%swap3A_177, %swap3A_178] : memref<8192x128xf32, #tpu.memory_space<vmem>>, vector<128x32xf32>
    tpu.vector_store %arg2[%swap3A_177, %swap3A_178], %slice3A_176 {strides = array<i32>} : memref<8192x128xf32, #tpu.memory_space<vmem>>, vector<128x32xf32>,
    %slice3A_180 = vector.extract_strided_slice %transpose3A {offsets = [5760, 0], sizes = [128, 32], strides = [1, 1]} : vector<32768x32xf32> to vector<128x32xf32>
    %swap3A_181 = arith.constant 1408 : index
    %swap3A_182 = arith.constant 32 : index
    %swap3A_183 = vector.load %arg2[%swap3A_181, %swap3A_182] : memref<8192x128xf32, #tpu.memory_space<vmem>>, vector<128x32xf32>
    tpu.vector_store %arg2[%swap3A_181, %swap3A_182], %slice3A_180 {strides = array<i32>} : memref<8192x128xf32, #tpu.memory_space<vmem>>, vector<128x32xf32>,
    %slice3A_184 = vector.extract_strided_slice %transpose3A {offsets = [5888, 0], sizes = [128, 32], strides = [1, 1]} : vector<32768x32xf32> to vector<128x32xf32>
    %swap3A_185 = arith.constant 1408 : index
    %swap3A_186 = arith.constant 64 : index
    %swap3A_187 = vector.load %arg2[%swap3A_185, %swap3A_186] : memref<8192x128xf32, #tpu.memory_space<vmem>>, vector<128x32xf32>
    tpu.vector_store %arg2[%swap3A_185, %swap3A_186], %slice3A_184 {strides = array<i32>} : memref<8192x128xf32, #tpu.memory_space<vmem>>, vector<128x32xf32>,
    %slice3A_188 = vector.extract_strided_slice %transpose3A {offsets = [6016, 0], sizes = [128, 32], strides = [1, 1]} : vector<32768x32xf32> to vector<128x32xf32>
    %swap3A_189 = arith.constant 1408 : index
    %swap3A_190 = arith.constant 96 : index
    %swap3A_191 = vector.load %arg2[%swap3A_189, %swap3A_190] : memref<8192x128xf32, #tpu.memory_space<vmem>>, vector<128x32xf32>
    tpu.vector_store %arg2[%swap3A_189, %swap3A_190], %slice3A_188 {strides = array<i32>} : memref<8192x128xf32, #tpu.memory_space<vmem>>, vector<128x32xf32>,
    %slice3A_192 = vector.extract_strided_slice %transpose3A {offsets = [6144, 0], sizes = [128, 32], strides = [1, 1]} : vector<32768x32xf32> to vector<128x32xf32>
    %swap3A_193 = arith.constant 1536 : index
    %swap3A_194 = arith.constant 0 : index
    %swap3A_195 = vector.load %arg2[%swap3A_193, %swap3A_194] : memref<8192x128xf32, #tpu.memory_space<vmem>>, vector<128x32xf32>
    tpu.vector_store %arg2[%swap3A_193, %swap3A_194], %slice3A_192 {strides = array<i32>} : memref<8192x128xf32, #tpu.memory_space<vmem>>, vector<128x32xf32>,
    %slice3A_196 = vector.extract_strided_slice %transpose3A {offsets = [6272, 0], sizes = [128, 32], strides = [1, 1]} : vector<32768x32xf32> to vector<128x32xf32>
    %swap3A_197 = arith.constant 1536 : index
    %swap3A_198 = arith.constant 32 : index
    %swap3A_199 = vector.load %arg2[%swap3A_197, %swap3A_198] : memref<8192x128xf32, #tpu.memory_space<vmem>>, vector<128x32xf32>
    tpu.vector_store %arg2[%swap3A_197, %swap3A_198], %slice3A_196 {strides = array<i32>} : memref<8192x128xf32, #tpu.memory_space<vmem>>, vector<128x32xf32>,
    %slice3A_200 = vector.extract_strided_slice %transpose3A {offsets = [6400, 0], sizes = [128, 32], strides = [1, 1]} : vector<32768x32xf32> to vector<128x32xf32>
    %swap3A_201 = arith.constant 1536 : index
    %swap3A_202 = arith.constant 64 : index
    %swap3A_203 = vector.load %arg2[%swap3A_201, %swap3A_202] : memref<8192x128xf32, #tpu.memory_space<vmem>>, vector<128x32xf32>
    tpu.vector_store %arg2[%swap3A_201, %swap3A_202], %slice3A_200 {strides = array<i32>} : memref<8192x128xf32, #tpu.memory_space<vmem>>, vector<128x32xf32>,
    %slice3A_204 = vector.extract_strided_slice %transpose3A {offsets = [6528, 0], sizes = [128, 32], strides = [1, 1]} : vector<32768x32xf32> to vector<128x32xf32>
    %swap3A_205 = arith.constant 1536 : index
    %swap3A_206 = arith.constant 96 : index
    %swap3A_207 = vector.load %arg2[%swap3A_205, %swap3A_206] : memref<8192x128xf32, #tpu.memory_space<vmem>>, vector<128x32xf32>
    tpu.vector_store %arg2[%swap3A_205, %swap3A_206], %slice3A_204 {strides = array<i32>} : memref<8192x128xf32, #tpu.memory_space<vmem>>, vector<128x32xf32>,
    %slice3A_208 = vector.extract_strided_slice %transpose3A {offsets = [6656, 0], sizes = [128, 32], strides = [1, 1]} : vector<32768x32xf32> to vector<128x32xf32>
    %swap3A_209 = arith.constant 1664 : index
    %swap3A_210 = arith.constant 0 : index
    %swap3A_211 = vector.load %arg2[%swap3A_209, %swap3A_210] : memref<8192x128xf32, #tpu.memory_space<vmem>>, vector<128x32xf32>
    tpu.vector_store %arg2[%swap3A_209, %swap3A_210], %slice3A_208 {strides = array<i32>} : memref<8192x128xf32, #tpu.memory_space<vmem>>, vector<128x32xf32>,
    %slice3A_212 = vector.extract_strided_slice %transpose3A {offsets = [6784, 0], sizes = [128, 32], strides = [1, 1]} : vector<32768x32xf32> to vector<128x32xf32>
    %swap3A_213 = arith.constant 1664 : index
    %swap3A_214 = arith.constant 32 : index
    %swap3A_215 = vector.load %arg2[%swap3A_213, %swap3A_214] : memref<8192x128xf32, #tpu.memory_space<vmem>>, vector<128x32xf32>
    tpu.vector_store %arg2[%swap3A_213, %swap3A_214], %slice3A_212 {strides = array<i32>} : memref<8192x128xf32, #tpu.memory_space<vmem>>, vector<128x32xf32>,
    %slice3A_216 = vector.extract_strided_slice %transpose3A {offsets = [6912, 0], sizes = [128, 32], strides = [1, 1]} : vector<32768x32xf32> to vector<128x32xf32>
    %swap3A_217 = arith.constant 1664 : index
    %swap3A_218 = arith.constant 64 : index
    %swap3A_219 = vector.load %arg2[%swap3A_217, %swap3A_218] : memref<8192x128xf32, #tpu.memory_space<vmem>>, vector<128x32xf32>
    tpu.vector_store %arg2[%swap3A_217, %swap3A_218], %slice3A_216 {strides = array<i32>} : memref<8192x128xf32, #tpu.memory_space<vmem>>, vector<128x32xf32>,
    %slice3A_220 = vector.extract_strided_slice %transpose3A {offsets = [7040, 0], sizes = [128, 32], strides = [1, 1]} : vector<32768x32xf32> to vector<128x32xf32>
    %swap3A_221 = arith.constant 1664 : index
    %swap3A_222 = arith.constant 96 : index
    %swap3A_223 = vector.load %arg2[%swap3A_221, %swap3A_222] : memref<8192x128xf32, #tpu.memory_space<vmem>>, vector<128x32xf32>
    tpu.vector_store %arg2[%swap3A_221, %swap3A_222], %slice3A_220 {strides = array<i32>} : memref<8192x128xf32, #tpu.memory_space<vmem>>, vector<128x32xf32>,
    %slice3A_224 = vector.extract_strided_slice %transpose3A {offsets = [7168, 0], sizes = [128, 32], strides = [1, 1]} : vector<32768x32xf32> to vector<128x32xf32>
    %swap3A_225 = arith.constant 1792 : index
    %swap3A_226 = arith.constant 0 : index
    %swap3A_227 = vector.load %arg2[%swap3A_225, %swap3A_226] : memref<8192x128xf32, #tpu.memory_space<vmem>>, vector<128x32xf32>
    tpu.vector_store %arg2[%swap3A_225, %swap3A_226], %slice3A_224 {strides = array<i32>} : memref<8192x128xf32, #tpu.memory_space<vmem>>, vector<128x32xf32>,
    %slice3A_228 = vector.extract_strided_slice %transpose3A {offsets = [7296, 0], sizes = [128, 32], strides = [1, 1]} : vector<32768x32xf32> to vector<128x32xf32>
    %swap3A_229 = arith.constant 1792 : index
    %swap3A_230 = arith.constant 32 : index
    %swap3A_231 = vector.load %arg2[%swap3A_229, %swap3A_230] : memref<8192x128xf32, #tpu.memory_space<vmem>>, vector<128x32xf32>
    tpu.vector_store %arg2[%swap3A_229, %swap3A_230], %slice3A_228 {strides = array<i32>} : memref<8192x128xf32, #tpu.memory_space<vmem>>, vector<128x32xf32>,
    %slice3A_232 = vector.extract_strided_slice %transpose3A {offsets = [7424, 0], sizes = [128, 32], strides = [1, 1]} : vector<32768x32xf32> to vector<128x32xf32>
    %swap3A_233 = arith.constant 1792 : index
    %swap3A_234 = arith.constant 64 : index
    %swap3A_235 = vector.load %arg2[%swap3A_233, %swap3A_234] : memref<8192x128xf32, #tpu.memory_space<vmem>>, vector<128x32xf32>
    tpu.vector_store %arg2[%swap3A_233, %swap3A_234], %slice3A_232 {strides = array<i32>} : memref<8192x128xf32, #tpu.memory_space<vmem>>, vector<128x32xf32>,
    %slice3A_236 = vector.extract_strided_slice %transpose3A {offsets = [7552, 0], sizes = [128, 32], strides = [1, 1]} : vector<32768x32xf32> to vector<128x32xf32>
    %swap3A_237 = arith.constant 1792 : index
    %swap3A_238 = arith.constant 96 : index
    %swap3A_239 = vector.load %arg2[%swap3A_237, %swap3A_238] : memref<8192x128xf32, #tpu.memory_space<vmem>>, vector<128x32xf32>
    tpu.vector_store %arg2[%swap3A_237, %swap3A_238], %slice3A_236 {strides = array<i32>} : memref<8192x128xf32, #tpu.memory_space<vmem>>, vector<128x32xf32>,
    %slice3A_240 = vector.extract_strided_slice %transpose3A {offsets = [7680, 0], sizes = [128, 32], strides = [1, 1]} : vector<32768x32xf32> to vector<128x32xf32>
    %swap3A_241 = arith.constant 1920 : index
    %swap3A_242 = arith.constant 0 : index
    %swap3A_243 = vector.load %arg2[%swap3A_241, %swap3A_242] : memref<8192x128xf32, #tpu.memory_space<vmem>>, vector<128x32xf32>
    tpu.vector_store %arg2[%swap3A_241, %swap3A_242], %slice3A_240 {strides = array<i32>} : memref<8192x128xf32, #tpu.memory_space<vmem>>, vector<128x32xf32>,
    %slice3A_244 = vector.extract_strided_slice %transpose3A {offsets = [7808, 0], sizes = [128, 32], strides = [1, 1]} : vector<32768x32xf32> to vector<128x32xf32>
    %swap3A_245 = arith.constant 1920 : index
    %swap3A_246 = arith.constant 32 : index
    %swap3A_247 = vector.load %arg2[%swap3A_245, %swap3A_246] : memref<8192x128xf32, #tpu.memory_space<vmem>>, vector<128x32xf32>
    tpu.vector_store %arg2[%swap3A_245, %swap3A_246], %slice3A_244 {strides = array<i32>} : memref<8192x128xf32, #tpu.memory_space<vmem>>, vector<128x32xf32>,
    %slice3A_248 = vector.extract_strided_slice %transpose3A {offsets = [7936, 0], sizes = [128, 32], strides = [1, 1]} : vector<32768x32xf32> to vector<128x32xf32>
    %swap3A_249 = arith.constant 1920 : index
    %swap3A_250 = arith.constant 64 : index
    %swap3A_251 = vector.load %arg2[%swap3A_249, %swap3A_250] : memref<8192x128xf32, #tpu.memory_space<vmem>>, vector<128x32xf32>
    tpu.vector_store %arg2[%swap3A_249, %swap3A_250], %slice3A_248 {strides = array<i32>} : memref<8192x128xf32, #tpu.memory_space<vmem>>, vector<128x32xf32>,
    %slice3A_252 = vector.extract_strided_slice %transpose3A {offsets = [8064, 0], sizes = [128, 32], strides = [1, 1]} : vector<32768x32xf32> to vector<128x32xf32>
    %swap3A_253 = arith.constant 1920 : index
    %swap3A_254 = arith.constant 96 : index
    %swap3A_255 = vector.load %arg2[%swap3A_253, %swap3A_254] : memref<8192x128xf32, #tpu.memory_space<vmem>>, vector<128x32xf32>
    tpu.vector_store %arg2[%swap3A_253, %swap3A_254], %slice3A_252 {strides = array<i32>} : memref<8192x128xf32, #tpu.memory_space<vmem>>, vector<128x32xf32>,
    %slice3A_256 = vector.extract_strided_slice %transpose3A {offsets = [8192, 0], sizes = [128, 32], strides = [1, 1]} : vector<32768x32xf32> to vector<128x32xf32>
    %swap3A_257 = arith.constant 2048 : index
    %swap3A_258 = arith.constant 0 : index
    %swap3A_259 = vector.load %arg2[%swap3A_257, %swap3A_258] : memref<8192x128xf32, #tpu.memory_space<vmem>>, vector<128x32xf32>
    tpu.vector_store %arg2[%swap3A_257, %swap3A_258], %slice3A_256 {strides = array<i32>} : memref<8192x128xf32, #tpu.memory_space<vmem>>, vector<128x32xf32>,
    %slice3A_260 = vector.extract_strided_slice %transpose3A {offsets = [8320, 0], sizes = [128, 32], strides = [1, 1]} : vector<32768x32xf32> to vector<128x32xf32>
    %swap3A_261 = arith.constant 2048 : index
    %swap3A_262 = arith.constant 32 : index
    %swap3A_263 = vector.load %arg2[%swap3A_261, %swap3A_262] : memref<8192x128xf32, #tpu.memory_space<vmem>>, vector<128x32xf32>
    tpu.vector_store %arg2[%swap3A_261, %swap3A_262], %slice3A_260 {strides = array<i32>} : memref<8192x128xf32, #tpu.memory_space<vmem>>, vector<128x32xf32>,
    %slice3A_264 = vector.extract_strided_slice %transpose3A {offsets = [8448, 0], sizes = [128, 32], strides = [1, 1]} : vector<32768x32xf32> to vector<128x32xf32>
    %swap3A_265 = arith.constant 2048 : index
    %swap3A_266 = arith.constant 64 : index
    %swap3A_267 = vector.load %arg2[%swap3A_265, %swap3A_266] : memref<8192x128xf32, #tpu.memory_space<vmem>>, vector<128x32xf32>
    tpu.vector_store %arg2[%swap3A_265, %swap3A_266], %slice3A_264 {strides = array<i32>} : memref<8192x128xf32, #tpu.memory_space<vmem>>, vector<128x32xf32>,
    %slice3A_268 = vector.extract_strided_slice %transpose3A {offsets = [8576, 0], sizes = [128, 32], strides = [1, 1]} : vector<32768x32xf32> to vector<128x32xf32>
    %swap3A_269 = arith.constant 2048 : index
    %swap3A_270 = arith.constant 96 : index
    %swap3A_271 = vector.load %arg2[%swap3A_269, %swap3A_270] : memref<8192x128xf32, #tpu.memory_space<vmem>>, vector<128x32xf32>
    tpu.vector_store %arg2[%swap3A_269, %swap3A_270], %slice3A_268 {strides = array<i32>} : memref<8192x128xf32, #tpu.memory_space<vmem>>, vector<128x32xf32>,
    %slice3A_272 = vector.extract_strided_slice %transpose3A {offsets = [8704, 0], sizes = [128, 32], strides = [1, 1]} : vector<32768x32xf32> to vector<128x32xf32>
    %swap3A_273 = arith.constant 2176 : index
    %swap3A_274 = arith.constant 0 : index
    %swap3A_275 = vector.load %arg2[%swap3A_273, %swap3A_274] : memref<8192x128xf32, #tpu.memory_space<vmem>>, vector<128x32xf32>
    tpu.vector_store %arg2[%swap3A_273, %swap3A_274], %slice3A_272 {strides = array<i32>} : memref<8192x128xf32, #tpu.memory_space<vmem>>, vector<128x32xf32>,
    %slice3A_276 = vector.extract_strided_slice %transpose3A {offsets = [8832, 0], sizes = [128, 32], strides = [1, 1]} : vector<32768x32xf32> to vector<128x32xf32>
    %swap3A_277 = arith.constant 2176 : index
    %swap3A_278 = arith.constant 32 : index
    %swap3A_279 = vector.load %arg2[%swap3A_277, %swap3A_278] : memref<8192x128xf32, #tpu.memory_space<vmem>>, vector<128x32xf32>
    tpu.vector_store %arg2[%swap3A_277, %swap3A_278], %slice3A_276 {strides = array<i32>} : memref<8192x128xf32, #tpu.memory_space<vmem>>, vector<128x32xf32>,
    %slice3A_280 = vector.extract_strided_slice %transpose3A {offsets = [8960, 0], sizes = [128, 32], strides = [1, 1]} : vector<32768x32xf32> to vector<128x32xf32>
    %swap3A_281 = arith.constant 2176 : index
    %swap3A_282 = arith.constant 64 : index
    %swap3A_283 = vector.load %arg2[%swap3A_281, %swap3A_282] : memref<8192x128xf32, #tpu.memory_space<vmem>>, vector<128x32xf32>
    tpu.vector_store %arg2[%swap3A_281, %swap3A_282], %slice3A_280 {strides = array<i32>} : memref<8192x128xf32, #tpu.memory_space<vmem>>, vector<128x32xf32>,
    %slice3A_284 = vector.extract_strided_slice %transpose3A {offsets = [9088, 0], sizes = [128, 32], strides = [1, 1]} : vector<32768x32xf32> to vector<128x32xf32>
    %swap3A_285 = arith.constant 2176 : index
    %swap3A_286 = arith.constant 96 : index
    %swap3A_287 = vector.load %arg2[%swap3A_285, %swap3A_286] : memref<8192x128xf32, #tpu.memory_space<vmem>>, vector<128x32xf32>
    tpu.vector_store %arg2[%swap3A_285, %swap3A_286], %slice3A_284 {strides = array<i32>} : memref<8192x128xf32, #tpu.memory_space<vmem>>, vector<128x32xf32>,
    %slice3A_288 = vector.extract_strided_slice %transpose3A {offsets = [9216, 0], sizes = [128, 32], strides = [1, 1]} : vector<32768x32xf32> to vector<128x32xf32>
    %swap3A_289 = arith.constant 2304 : index
    %swap3A_290 = arith.constant 0 : index
    %swap3A_291 = vector.load %arg2[%swap3A_289, %swap3A_290] : memref<8192x128xf32, #tpu.memory_space<vmem>>, vector<128x32xf32>
    tpu.vector_store %arg2[%swap3A_289, %swap3A_290], %slice3A_288 {strides = array<i32>} : memref<8192x128xf32, #tpu.memory_space<vmem>>, vector<128x32xf32>,
    %slice3A_292 = vector.extract_strided_slice %transpose3A {offsets = [9344, 0], sizes = [128, 32], strides = [1, 1]} : vector<32768x32xf32> to vector<128x32xf32>
    %swap3A_293 = arith.constant 2304 : index
    %swap3A_294 = arith.constant 32 : index
    %swap3A_295 = vector.load %arg2[%swap3A_293, %swap3A_294] : memref<8192x128xf32, #tpu.memory_space<vmem>>, vector<128x32xf32>
    tpu.vector_store %arg2[%swap3A_293, %swap3A_294], %slice3A_292 {strides = array<i32>} : memref<8192x128xf32, #tpu.memory_space<vmem>>, vector<128x32xf32>,
    %slice3A_296 = vector.extract_strided_slice %transpose3A {offsets = [9472, 0], sizes = [128, 32], strides = [1, 1]} : vector<32768x32xf32> to vector<128x32xf32>
    %swap3A_297 = arith.constant 2304 : index
    %swap3A_298 = arith.constant 64 : index
    %swap3A_299 = vector.load %arg2[%swap3A_297, %swap3A_298] : memref<8192x128xf32, #tpu.memory_space<vmem>>, vector<128x32xf32>
    tpu.vector_store %arg2[%swap3A_297, %swap3A_298], %slice3A_296 {strides = array<i32>} : memref<8192x128xf32, #tpu.memory_space<vmem>>, vector<128x32xf32>,
    %slice3A_300 = vector.extract_strided_slice %transpose3A {offsets = [9600, 0], sizes = [128, 32], strides = [1, 1]} : vector<32768x32xf32> to vector<128x32xf32>
    %swap3A_301 = arith.constant 2304 : index
    %swap3A_302 = arith.constant 96 : index
    %swap3A_303 = vector.load %arg2[%swap3A_301, %swap3A_302] : memref<8192x128xf32, #tpu.memory_space<vmem>>, vector<128x32xf32>
    tpu.vector_store %arg2[%swap3A_301, %swap3A_302], %slice3A_300 {strides = array<i32>} : memref<8192x128xf32, #tpu.memory_space<vmem>>, vector<128x32xf32>,
    %slice3A_304 = vector.extract_strided_slice %transpose3A {offsets = [9728, 0], sizes = [128, 32], strides = [1, 1]} : vector<32768x32xf32> to vector<128x32xf32>
    %swap3A_305 = arith.constant 2432 : index
    %swap3A_306 = arith.constant 0 : index
    %swap3A_307 = vector.load %arg2[%swap3A_305, %swap3A_306] : memref<8192x128xf32, #tpu.memory_space<vmem>>, vector<128x32xf32>
    tpu.vector_store %arg2[%swap3A_305, %swap3A_306], %slice3A_304 {strides = array<i32>} : memref<8192x128xf32, #tpu.memory_space<vmem>>, vector<128x32xf32>,
    %slice3A_308 = vector.extract_strided_slice %transpose3A {offsets = [9856, 0], sizes = [128, 32], strides = [1, 1]} : vector<32768x32xf32> to vector<128x32xf32>
    %swap3A_309 = arith.constant 2432 : index
    %swap3A_310 = arith.constant 32 : index
    %swap3A_311 = vector.load %arg2[%swap3A_309, %swap3A_310] : memref<8192x128xf32, #tpu.memory_space<vmem>>, vector<128x32xf32>
    tpu.vector_store %arg2[%swap3A_309, %swap3A_310], %slice3A_308 {strides = array<i32>} : memref<8192x128xf32, #tpu.memory_space<vmem>>, vector<128x32xf32>,
    %slice3A_312 = vector.extract_strided_slice %transpose3A {offsets = [9984, 0], sizes = [128, 32], strides = [1, 1]} : vector<32768x32xf32> to vector<128x32xf32>
    %swap3A_313 = arith.constant 2432 : index
    %swap3A_314 = arith.constant 64 : index
    %swap3A_315 = vector.load %arg2[%swap3A_313, %swap3A_314] : memref<8192x128xf32, #tpu.memory_space<vmem>>, vector<128x32xf32>
    tpu.vector_store %arg2[%swap3A_313, %swap3A_314], %slice3A_312 {strides = array<i32>} : memref<8192x128xf32, #tpu.memory_space<vmem>>, vector<128x32xf32>,
    %slice3A_316 = vector.extract_strided_slice %transpose3A {offsets = [10112, 0], sizes = [128, 32], strides = [1, 1]} : vector<32768x32xf32> to vector<128x32xf32>
    %swap3A_317 = arith.constant 2432 : index
    %swap3A_318 = arith.constant 96 : index
    %swap3A_319 = vector.load %arg2[%swap3A_317, %swap3A_318] : memref<8192x128xf32, #tpu.memory_space<vmem>>, vector<128x32xf32>
    tpu.vector_store %arg2[%swap3A_317, %swap3A_318], %slice3A_316 {strides = array<i32>} : memref<8192x128xf32, #tpu.memory_space<vmem>>, vector<128x32xf32>,
    %slice3A_320 = vector.extract_strided_slice %transpose3A {offsets = [10240, 0], sizes = [128, 32], strides = [1, 1]} : vector<32768x32xf32> to vector<128x32xf32>
    %swap3A_321 = arith.constant 2560 : index
    %swap3A_322 = arith.constant 0 : index
    %swap3A_323 = vector.load %arg2[%swap3A_321, %swap3A_322] : memref<8192x128xf32, #tpu.memory_space<vmem>>, vector<128x32xf32>
    tpu.vector_store %arg2[%swap3A_321, %swap3A_322], %slice3A_320 {strides = array<i32>} : memref<8192x128xf32, #tpu.memory_space<vmem>>, vector<128x32xf32>,
    %slice3A_324 = vector.extract_strided_slice %transpose3A {offsets = [10368, 0], sizes = [128, 32], strides = [1, 1]} : vector<32768x32xf32> to vector<128x32xf32>
    %swap3A_325 = arith.constant 2560 : index
    %swap3A_326 = arith.constant 32 : index
    %swap3A_327 = vector.load %arg2[%swap3A_325, %swap3A_326] : memref<8192x128xf32, #tpu.memory_space<vmem>>, vector<128x32xf32>
    tpu.vector_store %arg2[%swap3A_325, %swap3A_326], %slice3A_324 {strides = array<i32>} : memref<8192x128xf32, #tpu.memory_space<vmem>>, vector<128x32xf32>,
    %slice3A_328 = vector.extract_strided_slice %transpose3A {offsets = [10496, 0], sizes = [128, 32], strides = [1, 1]} : vector<32768x32xf32> to vector<128x32xf32>
    %swap3A_329 = arith.constant 2560 : index
    %swap3A_330 = arith.constant 64 : index
    %swap3A_331 = vector.load %arg2[%swap3A_329, %swap3A_330] : memref<8192x128xf32, #tpu.memory_space<vmem>>, vector<128x32xf32>
    tpu.vector_store %arg2[%swap3A_329, %swap3A_330], %slice3A_328 {strides = array<i32>} : memref<8192x128xf32, #tpu.memory_space<vmem>>, vector<128x32xf32>,
    %slice3A_332 = vector.extract_strided_slice %transpose3A {offsets = [10624, 0], sizes = [128, 32], strides = [1, 1]} : vector<32768x32xf32> to vector<128x32xf32>
    %swap3A_333 = arith.constant 2560 : index
    %swap3A_334 = arith.constant 96 : index
    %swap3A_335 = vector.load %arg2[%swap3A_333, %swap3A_334] : memref<8192x128xf32, #tpu.memory_space<vmem>>, vector<128x32xf32>
    tpu.vector_store %arg2[%swap3A_333, %swap3A_334], %slice3A_332 {strides = array<i32>} : memref<8192x128xf32, #tpu.memory_space<vmem>>, vector<128x32xf32>,
    %slice3A_336 = vector.extract_strided_slice %transpose3A {offsets = [10752, 0], sizes = [128, 32], strides = [1, 1]} : vector<32768x32xf32> to vector<128x32xf32>
    %swap3A_337 = arith.constant 2688 : index
    %swap3A_338 = arith.constant 0 : index
    %swap3A_339 = vector.load %arg2[%swap3A_337, %swap3A_338] : memref<8192x128xf32, #tpu.memory_space<vmem>>, vector<128x32xf32>
    tpu.vector_store %arg2[%swap3A_337, %swap3A_338], %slice3A_336 {strides = array<i32>} : memref<8192x128xf32, #tpu.memory_space<vmem>>, vector<128x32xf32>,
    %slice3A_340 = vector.extract_strided_slice %transpose3A {offsets = [10880, 0], sizes = [128, 32], strides = [1, 1]} : vector<32768x32xf32> to vector<128x32xf32>
    %swap3A_341 = arith.constant 2688 : index
    %swap3A_342 = arith.constant 32 : index
    %swap3A_343 = vector.load %arg2[%swap3A_341, %swap3A_342] : memref<8192x128xf32, #tpu.memory_space<vmem>>, vector<128x32xf32>
    tpu.vector_store %arg2[%swap3A_341, %swap3A_342], %slice3A_340 {strides = array<i32>} : memref<8192x128xf32, #tpu.memory_space<vmem>>, vector<128x32xf32>,
    %slice3A_344 = vector.extract_strided_slice %transpose3A {offsets = [11008, 0], sizes = [128, 32], strides = [1, 1]} : vector<32768x32xf32> to vector<128x32xf32>
    %swap3A_345 = arith.constant 2688 : index
    %swap3A_346 = arith.constant 64 : index
    %swap3A_347 = vector.load %arg2[%swap3A_345, %swap3A_346] : memref<8192x128xf32, #tpu.memory_space<vmem>>, vector<128x32xf32>
    tpu.vector_store %arg2[%swap3A_345, %swap3A_346], %slice3A_344 {strides = array<i32>} : memref<8192x128xf32, #tpu.memory_space<vmem>>, vector<128x32xf32>,
    %slice3A_348 = vector.extract_strided_slice %transpose3A {offsets = [11136, 0], sizes = [128, 32], strides = [1, 1]} : vector<32768x32xf32> to vector<128x32xf32>
    %swap3A_349 = arith.constant 2688 : index
    %swap3A_350 = arith.constant 96 : index
    %swap3A_351 = vector.load %arg2[%swap3A_349, %swap3A_350] : memref<8192x128xf32, #tpu.memory_space<vmem>>, vector<128x32xf32>
    tpu.vector_store %arg2[%swap3A_349, %swap3A_350], %slice3A_348 {strides = array<i32>} : memref<8192x128xf32, #tpu.memory_space<vmem>>, vector<128x32xf32>,
    %slice3A_352 = vector.extract_strided_slice %transpose3A {offsets = [11264, 0], sizes = [128, 32], strides = [1, 1]} : vector<32768x32xf32> to vector<128x32xf32>
    %swap3A_353 = arith.constant 2816 : index
    %swap3A_354 = arith.constant 0 : index
    %swap3A_355 = vector.load %arg2[%swap3A_353, %swap3A_354] : memref<8192x128xf32, #tpu.memory_space<vmem>>, vector<128x32xf32>
    tpu.vector_store %arg2[%swap3A_353, %swap3A_354], %slice3A_352 {strides = array<i32>} : memref<8192x128xf32, #tpu.memory_space<vmem>>, vector<128x32xf32>,
    %slice3A_356 = vector.extract_strided_slice %transpose3A {offsets = [11392, 0], sizes = [128, 32], strides = [1, 1]} : vector<32768x32xf32> to vector<128x32xf32>
    %swap3A_357 = arith.constant 2816 : index
    %swap3A_358 = arith.constant 32 : index
    %swap3A_359 = vector.load %arg2[%swap3A_357, %swap3A_358] : memref<8192x128xf32, #tpu.memory_space<vmem>>, vector<128x32xf32>
    tpu.vector_store %arg2[%swap3A_357, %swap3A_358], %slice3A_356 {strides = array<i32>} : memref<8192x128xf32, #tpu.memory_space<vmem>>, vector<128x32xf32>,
    %slice3A_360 = vector.extract_strided_slice %transpose3A {offsets = [11520, 0], sizes = [128, 32], strides = [1, 1]} : vector<32768x32xf32> to vector<128x32xf32>
    %swap3A_361 = arith.constant 2816 : index
    %swap3A_362 = arith.constant 64 : index
    %swap3A_363 = vector.load %arg2[%swap3A_361, %swap3A_362] : memref<8192x128xf32, #tpu.memory_space<vmem>>, vector<128x32xf32>
    tpu.vector_store %arg2[%swap3A_361, %swap3A_362], %slice3A_360 {strides = array<i32>} : memref<8192x128xf32, #tpu.memory_space<vmem>>, vector<128x32xf32>,
    %slice3A_364 = vector.extract_strided_slice %transpose3A {offsets = [11648, 0], sizes = [128, 32], strides = [1, 1]} : vector<32768x32xf32> to vector<128x32xf32>
    %swap3A_365 = arith.constant 2816 : index
    %swap3A_366 = arith.constant 96 : index
    %swap3A_367 = vector.load %arg2[%swap3A_365, %swap3A_366] : memref<8192x128xf32, #tpu.memory_space<vmem>>, vector<128x32xf32>
    tpu.vector_store %arg2[%swap3A_365, %swap3A_366], %slice3A_364 {strides = array<i32>} : memref<8192x128xf32, #tpu.memory_space<vmem>>, vector<128x32xf32>,
    %slice3A_368 = vector.extract_strided_slice %transpose3A {offsets = [11776, 0], sizes = [128, 32], strides = [1, 1]} : vector<32768x32xf32> to vector<128x32xf32>
    %swap3A_369 = arith.constant 2944 : index
    %swap3A_370 = arith.constant 0 : index
    %swap3A_371 = vector.load %arg2[%swap3A_369, %swap3A_370] : memref<8192x128xf32, #tpu.memory_space<vmem>>, vector<128x32xf32>
    tpu.vector_store %arg2[%swap3A_369, %swap3A_370], %slice3A_368 {strides = array<i32>} : memref<8192x128xf32, #tpu.memory_space<vmem>>, vector<128x32xf32>,
    %slice3A_372 = vector.extract_strided_slice %transpose3A {offsets = [11904, 0], sizes = [128, 32], strides = [1, 1]} : vector<32768x32xf32> to vector<128x32xf32>
    %swap3A_373 = arith.constant 2944 : index
    %swap3A_374 = arith.constant 32 : index
    %swap3A_375 = vector.load %arg2[%swap3A_373, %swap3A_374] : memref<8192x128xf32, #tpu.memory_space<vmem>>, vector<128x32xf32>
    tpu.vector_store %arg2[%swap3A_373, %swap3A_374], %slice3A_372 {strides = array<i32>} : memref<8192x128xf32, #tpu.memory_space<vmem>>, vector<128x32xf32>,
    %slice3A_376 = vector.extract_strided_slice %transpose3A {offsets = [12032, 0], sizes = [128, 32], strides = [1, 1]} : vector<32768x32xf32> to vector<128x32xf32>
    %swap3A_377 = arith.constant 2944 : index
    %swap3A_378 = arith.constant 64 : index
    %swap3A_379 = vector.load %arg2[%swap3A_377, %swap3A_378] : memref<8192x128xf32, #tpu.memory_space<vmem>>, vector<128x32xf32>
    tpu.vector_store %arg2[%swap3A_377, %swap3A_378], %slice3A_376 {strides = array<i32>} : memref<8192x128xf32, #tpu.memory_space<vmem>>, vector<128x32xf32>,
    %slice3A_380 = vector.extract_strided_slice %transpose3A {offsets = [12160, 0], sizes = [128, 32], strides = [1, 1]} : vector<32768x32xf32> to vector<128x32xf32>
    %swap3A_381 = arith.constant 2944 : index
    %swap3A_382 = arith.constant 96 : index
    %swap3A_383 = vector.load %arg2[%swap3A_381, %swap3A_382] : memref<8192x128xf32, #tpu.memory_space<vmem>>, vector<128x32xf32>
    tpu.vector_store %arg2[%swap3A_381, %swap3A_382], %slice3A_380 {strides = array<i32>} : memref<8192x128xf32, #tpu.memory_space<vmem>>, vector<128x32xf32>,
    %slice3A_384 = vector.extract_strided_slice %transpose3A {offsets = [12288, 0], sizes = [128, 32], strides = [1, 1]} : vector<32768x32xf32> to vector<128x32xf32>
    %swap3A_385 = arith.constant 3072 : index
    %swap3A_386 = arith.constant 0 : index
    %swap3A_387 = vector.load %arg2[%swap3A_385, %swap3A_386] : memref<8192x128xf32, #tpu.memory_space<vmem>>, vector<128x32xf32>
    tpu.vector_store %arg2[%swap3A_385, %swap3A_386], %slice3A_384 {strides = array<i32>} : memref<8192x128xf32, #tpu.memory_space<vmem>>, vector<128x32xf32>,
    %slice3A_388 = vector.extract_strided_slice %transpose3A {offsets = [12416, 0], sizes = [128, 32], strides = [1, 1]} : vector<32768x32xf32> to vector<128x32xf32>
    %swap3A_389 = arith.constant 3072 : index
    %swap3A_390 = arith.constant 32 : index
    %swap3A_391 = vector.load %arg2[%swap3A_389, %swap3A_390] : memref<8192x128xf32, #tpu.memory_space<vmem>>, vector<128x32xf32>
    tpu.vector_store %arg2[%swap3A_389, %swap3A_390], %slice3A_388 {strides = array<i32>} : memref<8192x128xf32, #tpu.memory_space<vmem>>, vector<128x32xf32>,
    %slice3A_392 = vector.extract_strided_slice %transpose3A {offsets = [12544, 0], sizes = [128, 32], strides = [1, 1]} : vector<32768x32xf32> to vector<128x32xf32>
    %swap3A_393 = arith.constant 3072 : index
    %swap3A_394 = arith.constant 64 : index
    %swap3A_395 = vector.load %arg2[%swap3A_393, %swap3A_394] : memref<8192x128xf32, #tpu.memory_space<vmem>>, vector<128x32xf32>
    tpu.vector_store %arg2[%swap3A_393, %swap3A_394], %slice3A_392 {strides = array<i32>} : memref<8192x128xf32, #tpu.memory_space<vmem>>, vector<128x32xf32>,
    %slice3A_396 = vector.extract_strided_slice %transpose3A {offsets = [12672, 0], sizes = [128, 32], strides = [1, 1]} : vector<32768x32xf32> to vector<128x32xf32>
    %swap3A_397 = arith.constant 3072 : index
    %swap3A_398 = arith.constant 96 : index
    %swap3A_399 = vector.load %arg2[%swap3A_397, %swap3A_398] : memref<8192x128xf32, #tpu.memory_space<vmem>>, vector<128x32xf32>
    tpu.vector_store %arg2[%swap3A_397, %swap3A_398], %slice3A_396 {strides = array<i32>} : memref<8192x128xf32, #tpu.memory_space<vmem>>, vector<128x32xf32>,
    %slice3A_400 = vector.extract_strided_slice %transpose3A {offsets = [12800, 0], sizes = [128, 32], strides = [1, 1]} : vector<32768x32xf32> to vector<128x32xf32>
    %swap3A_401 = arith.constant 3200 : index
    %swap3A_402 = arith.constant 0 : index
    %swap3A_403 = vector.load %arg2[%swap3A_401, %swap3A_402] : memref<8192x128xf32, #tpu.memory_space<vmem>>, vector<128x32xf32>
    tpu.vector_store %arg2[%swap3A_401, %swap3A_402], %slice3A_400 {strides = array<i32>} : memref<8192x128xf32, #tpu.memory_space<vmem>>, vector<128x32xf32>,
    %slice3A_404 = vector.extract_strided_slice %transpose3A {offsets = [12928, 0], sizes = [128, 32], strides = [1, 1]} : vector<32768x32xf32> to vector<128x32xf32>
    %swap3A_405 = arith.constant 3200 : index
    %swap3A_406 = arith.constant 32 : index
    %swap3A_407 = vector.load %arg2[%swap3A_405, %swap3A_406] : memref<8192x128xf32, #tpu.memory_space<vmem>>, vector<128x32xf32>
    tpu.vector_store %arg2[%swap3A_405, %swap3A_406], %slice3A_404 {strides = array<i32>} : memref<8192x128xf32, #tpu.memory_space<vmem>>, vector<128x32xf32>,
    %slice3A_408 = vector.extract_strided_slice %transpose3A {offsets = [13056, 0], sizes = [128, 32], strides = [1, 1]} : vector<32768x32xf32> to vector<128x32xf32>
    %swap3A_409 = arith.constant 3200 : index
    %swap3A_410 = arith.constant 64 : index
    %swap3A_411 = vector.load %arg2[%swap3A_409, %swap3A_410] : memref<8192x128xf32, #tpu.memory_space<vmem>>, vector<128x32xf32>
    tpu.vector_store %arg2[%swap3A_409, %swap3A_410], %slice3A_408 {strides = array<i32>} : memref<8192x128xf32, #tpu.memory_space<vmem>>, vector<128x32xf32>,
    %slice3A_412 = vector.extract_strided_slice %transpose3A {offsets = [13184, 0], sizes = [128, 32], strides = [1, 1]} : vector<32768x32xf32> to vector<128x32xf32>
    %swap3A_413 = arith.constant 3200 : index
    %swap3A_414 = arith.constant 96 : index
    %swap3A_415 = vector.load %arg2[%swap3A_413, %swap3A_414] : memref<8192x128xf32, #tpu.memory_space<vmem>>, vector<128x32xf32>
    tpu.vector_store %arg2[%swap3A_413, %swap3A_414], %slice3A_412 {strides = array<i32>} : memref<8192x128xf32, #tpu.memory_space<vmem>>, vector<128x32xf32>,
    %slice3A_416 = vector.extract_strided_slice %transpose3A {offsets = [13312, 0], sizes = [128, 32], strides = [1, 1]} : vector<32768x32xf32> to vector<128x32xf32>
    %swap3A_417 = arith.constant 3328 : index
    %swap3A_418 = arith.constant 0 : index
    %swap3A_419 = vector.load %arg2[%swap3A_417, %swap3A_418] : memref<8192x128xf32, #tpu.memory_space<vmem>>, vector<128x32xf32>
    tpu.vector_store %arg2[%swap3A_417, %swap3A_418], %slice3A_416 {strides = array<i32>} : memref<8192x128xf32, #tpu.memory_space<vmem>>, vector<128x32xf32>,
    %slice3A_420 = vector.extract_strided_slice %transpose3A {offsets = [13440, 0], sizes = [128, 32], strides = [1, 1]} : vector<32768x32xf32> to vector<128x32xf32>
    %swap3A_421 = arith.constant 3328 : index
    %swap3A_422 = arith.constant 32 : index
    %swap3A_423 = vector.load %arg2[%swap3A_421, %swap3A_422] : memref<8192x128xf32, #tpu.memory_space<vmem>>, vector<128x32xf32>
    tpu.vector_store %arg2[%swap3A_421, %swap3A_422], %slice3A_420 {strides = array<i32>} : memref<8192x128xf32, #tpu.memory_space<vmem>>, vector<128x32xf32>,
    %slice3A_424 = vector.extract_strided_slice %transpose3A {offsets = [13568, 0], sizes = [128, 32], strides = [1, 1]} : vector<32768x32xf32> to vector<128x32xf32>
    %swap3A_425 = arith.constant 3328 : index
    %swap3A_426 = arith.constant 64 : index
    %swap3A_427 = vector.load %arg2[%swap3A_425, %swap3A_426] : memref<8192x128xf32, #tpu.memory_space<vmem>>, vector<128x32xf32>
    tpu.vector_store %arg2[%swap3A_425, %swap3A_426], %slice3A_424 {strides = array<i32>} : memref<8192x128xf32, #tpu.memory_space<vmem>>, vector<128x32xf32>,
    %slice3A_428 = vector.extract_strided_slice %transpose3A {offsets = [13696, 0], sizes = [128, 32], strides = [1, 1]} : vector<32768x32xf32> to vector<128x32xf32>
    %swap3A_429 = arith.constant 3328 : index
    %swap3A_430 = arith.constant 96 : index
    %swap3A_431 = vector.load %arg2[%swap3A_429, %swap3A_430] : memref<8192x128xf32, #tpu.memory_space<vmem>>, vector<128x32xf32>
    tpu.vector_store %arg2[%swap3A_429, %swap3A_430], %slice3A_428 {strides = array<i32>} : memref<8192x128xf32, #tpu.memory_space<vmem>>, vector<128x32xf32>,
    %slice3A_432 = vector.extract_strided_slice %transpose3A {offsets = [13824, 0], sizes = [128, 32], strides = [1, 1]} : vector<32768x32xf32> to vector<128x32xf32>
    %swap3A_433 = arith.constant 3456 : index
    %swap3A_434 = arith.constant 0 : index
    %swap3A_435 = vector.load %arg2[%swap3A_433, %swap3A_434] : memref<8192x128xf32, #tpu.memory_space<vmem>>, vector<128x32xf32>
    tpu.vector_store %arg2[%swap3A_433, %swap3A_434], %slice3A_432 {strides = array<i32>} : memref<8192x128xf32, #tpu.memory_space<vmem>>, vector<128x32xf32>,
    %slice3A_436 = vector.extract_strided_slice %transpose3A {offsets = [13952, 0], sizes = [128, 32], strides = [1, 1]} : vector<32768x32xf32> to vector<128x32xf32>
    %swap3A_437 = arith.constant 3456 : index
    %swap3A_438 = arith.constant 32 : index
    %swap3A_439 = vector.load %arg2[%swap3A_437, %swap3A_438] : memref<8192x128xf32, #tpu.memory_space<vmem>>, vector<128x32xf32>
    tpu.vector_store %arg2[%swap3A_437, %swap3A_438], %slice3A_436 {strides = array<i32>} : memref<8192x128xf32, #tpu.memory_space<vmem>>, vector<128x32xf32>,
    %slice3A_440 = vector.extract_strided_slice %transpose3A {offsets = [14080, 0], sizes = [128, 32], strides = [1, 1]} : vector<32768x32xf32> to vector<128x32xf32>
    %swap3A_441 = arith.constant 3456 : index
    %swap3A_442 = arith.constant 64 : index
    %swap3A_443 = vector.load %arg2[%swap3A_441, %swap3A_442] : memref<8192x128xf32, #tpu.memory_space<vmem>>, vector<128x32xf32>
    tpu.vector_store %arg2[%swap3A_441, %swap3A_442], %slice3A_440 {strides = array<i32>} : memref<8192x128xf32, #tpu.memory_space<vmem>>, vector<128x32xf32>,
    %slice3A_444 = vector.extract_strided_slice %transpose3A {offsets = [14208, 0], sizes = [128, 32], strides = [1, 1]} : vector<32768x32xf32> to vector<128x32xf32>
    %swap3A_445 = arith.constant 3456 : index
    %swap3A_446 = arith.constant 96 : index
    %swap3A_447 = vector.load %arg2[%swap3A_445, %swap3A_446] : memref<8192x128xf32, #tpu.memory_space<vmem>>, vector<128x32xf32>
    tpu.vector_store %arg2[%swap3A_445, %swap3A_446], %slice3A_444 {strides = array<i32>} : memref<8192x128xf32, #tpu.memory_space<vmem>>, vector<128x32xf32>,
    %slice3A_448 = vector.extract_strided_slice %transpose3A {offsets = [14336, 0], sizes = [128, 32], strides = [1, 1]} : vector<32768x32xf32> to vector<128x32xf32>
    %swap3A_449 = arith.constant 3584 : index
    %swap3A_450 = arith.constant 0 : index
    %swap3A_451 = vector.load %arg2[%swap3A_449, %swap3A_450] : memref<8192x128xf32, #tpu.memory_space<vmem>>, vector<128x32xf32>
    tpu.vector_store %arg2[%swap3A_449, %swap3A_450], %slice3A_448 {strides = array<i32>} : memref<8192x128xf32, #tpu.memory_space<vmem>>, vector<128x32xf32>,
    %slice3A_452 = vector.extract_strided_slice %transpose3A {offsets = [14464, 0], sizes = [128, 32], strides = [1, 1]} : vector<32768x32xf32> to vector<128x32xf32>
    %swap3A_453 = arith.constant 3584 : index
    %swap3A_454 = arith.constant 32 : index
    %swap3A_455 = vector.load %arg2[%swap3A_453, %swap3A_454] : memref<8192x128xf32, #tpu.memory_space<vmem>>, vector<128x32xf32>
    tpu.vector_store %arg2[%swap3A_453, %swap3A_454], %slice3A_452 {strides = array<i32>} : memref<8192x128xf32, #tpu.memory_space<vmem>>, vector<128x32xf32>,
    %slice3A_456 = vector.extract_strided_slice %transpose3A {offsets = [14592, 0], sizes = [128, 32], strides = [1, 1]} : vector<32768x32xf32> to vector<128x32xf32>
    %swap3A_457 = arith.constant 3584 : index
    %swap3A_458 = arith.constant 64 : index
    %swap3A_459 = vector.load %arg2[%swap3A_457, %swap3A_458] : memref<8192x128xf32, #tpu.memory_space<vmem>>, vector<128x32xf32>
    tpu.vector_store %arg2[%swap3A_457, %swap3A_458], %slice3A_456 {strides = array<i32>} : memref<8192x128xf32, #tpu.memory_space<vmem>>, vector<128x32xf32>,
    %slice3A_460 = vector.extract_strided_slice %transpose3A {offsets = [14720, 0], sizes = [128, 32], strides = [1, 1]} : vector<32768x32xf32> to vector<128x32xf32>
    %swap3A_461 = arith.constant 3584 : index
    %swap3A_462 = arith.constant 96 : index
    %swap3A_463 = vector.load %arg2[%swap3A_461, %swap3A_462] : memref<8192x128xf32, #tpu.memory_space<vmem>>, vector<128x32xf32>
    tpu.vector_store %arg2[%swap3A_461, %swap3A_462], %slice3A_460 {strides = array<i32>} : memref<8192x128xf32, #tpu.memory_space<vmem>>, vector<128x32xf32>,
    %slice3A_464 = vector.extract_strided_slice %transpose3A {offsets = [14848, 0], sizes = [128, 32], strides = [1, 1]} : vector<32768x32xf32> to vector<128x32xf32>
    %swap3A_465 = arith.constant 3712 : index
    %swap3A_466 = arith.constant 0 : index
    %swap3A_467 = vector.load %arg2[%swap3A_465, %swap3A_466] : memref<8192x128xf32, #tpu.memory_space<vmem>>, vector<128x32xf32>
    tpu.vector_store %arg2[%swap3A_465, %swap3A_466], %slice3A_464 {strides = array<i32>} : memref<8192x128xf32, #tpu.memory_space<vmem>>, vector<128x32xf32>,
    %slice3A_468 = vector.extract_strided_slice %transpose3A {offsets = [14976, 0], sizes = [128, 32], strides = [1, 1]} : vector<32768x32xf32> to vector<128x32xf32>
    %swap3A_469 = arith.constant 3712 : index
    %swap3A_470 = arith.constant 32 : index
    %swap3A_471 = vector.load %arg2[%swap3A_469, %swap3A_470] : memref<8192x128xf32, #tpu.memory_space<vmem>>, vector<128x32xf32>
    tpu.vector_store %arg2[%swap3A_469, %swap3A_470], %slice3A_468 {strides = array<i32>} : memref<8192x128xf32, #tpu.memory_space<vmem>>, vector<128x32xf32>,
    %slice3A_472 = vector.extract_strided_slice %transpose3A {offsets = [15104, 0], sizes = [128, 32], strides = [1, 1]} : vector<32768x32xf32> to vector<128x32xf32>
    %swap3A_473 = arith.constant 3712 : index
    %swap3A_474 = arith.constant 64 : index
    %swap3A_475 = vector.load %arg2[%swap3A_473, %swap3A_474] : memref<8192x128xf32, #tpu.memory_space<vmem>>, vector<128x32xf32>
    tpu.vector_store %arg2[%swap3A_473, %swap3A_474], %slice3A_472 {strides = array<i32>} : memref<8192x128xf32, #tpu.memory_space<vmem>>, vector<128x32xf32>,
    %slice3A_476 = vector.extract_strided_slice %transpose3A {offsets = [15232, 0], sizes = [128, 32], strides = [1, 1]} : vector<32768x32xf32> to vector<128x32xf32>
    %swap3A_477 = arith.constant 3712 : index
    %swap3A_478 = arith.constant 96 : index
    %swap3A_479 = vector.load %arg2[%swap3A_477, %swap3A_478] : memref<8192x128xf32, #tpu.memory_space<vmem>>, vector<128x32xf32>
    tpu.vector_store %arg2[%swap3A_477, %swap3A_478], %slice3A_476 {strides = array<i32>} : memref<8192x128xf32, #tpu.memory_space<vmem>>, vector<128x32xf32>,
    %slice3A_480 = vector.extract_strided_slice %transpose3A {offsets = [15360, 0], sizes = [128, 32], strides = [1, 1]} : vector<32768x32xf32> to vector<128x32xf32>
    %swap3A_481 = arith.constant 3840 : index
    %swap3A_482 = arith.constant 0 : index
    %swap3A_483 = vector.load %arg2[%swap3A_481, %swap3A_482] : memref<8192x128xf32, #tpu.memory_space<vmem>>, vector<128x32xf32>
    tpu.vector_store %arg2[%swap3A_481, %swap3A_482], %slice3A_480 {strides = array<i32>} : memref<8192x128xf32, #tpu.memory_space<vmem>>, vector<128x32xf32>,
    %slice3A_484 = vector.extract_strided_slice %transpose3A {offsets = [15488, 0], sizes = [128, 32], strides = [1, 1]} : vector<32768x32xf32> to vector<128x32xf32>
    %swap3A_485 = arith.constant 3840 : index
    %swap3A_486 = arith.constant 32 : index
    %swap3A_487 = vector.load %arg2[%swap3A_485, %swap3A_486] : memref<8192x128xf32, #tpu.memory_space<vmem>>, vector<128x32xf32>
    tpu.vector_store %arg2[%swap3A_485, %swap3A_486], %slice3A_484 {strides = array<i32>} : memref<8192x128xf32, #tpu.memory_space<vmem>>, vector<128x32xf32>,
    %slice3A_488 = vector.extract_strided_slice %transpose3A {offsets = [15616, 0], sizes = [128, 32], strides = [1, 1]} : vector<32768x32xf32> to vector<128x32xf32>
    %swap3A_489 = arith.constant 3840 : index
    %swap3A_490 = arith.constant 64 : index
    %swap3A_491 = vector.load %arg2[%swap3A_489, %swap3A_490] : memref<8192x128xf32, #tpu.memory_space<vmem>>, vector<128x32xf32>
    tpu.vector_store %arg2[%swap3A_489, %swap3A_490], %slice3A_488 {strides = array<i32>} : memref<8192x128xf32, #tpu.memory_space<vmem>>, vector<128x32xf32>,
    %slice3A_492 = vector.extract_strided_slice %transpose3A {offsets = [15744, 0], sizes = [128, 32], strides = [1, 1]} : vector<32768x32xf32> to vector<128x32xf32>
    %swap3A_493 = arith.constant 3840 : index
    %swap3A_494 = arith.constant 96 : index
    %swap3A_495 = vector.load %arg2[%swap3A_493, %swap3A_494] : memref<8192x128xf32, #tpu.memory_space<vmem>>, vector<128x32xf32>
    tpu.vector_store %arg2[%swap3A_493, %swap3A_494], %slice3A_492 {strides = array<i32>} : memref<8192x128xf32, #tpu.memory_space<vmem>>, vector<128x32xf32>,
    %slice3A_496 = vector.extract_strided_slice %transpose3A {offsets = [15872, 0], sizes = [128, 32], strides = [1, 1]} : vector<32768x32xf32> to vector<128x32xf32>
    %swap3A_497 = arith.constant 3968 : index
    %swap3A_498 = arith.constant 0 : index
    %swap3A_499 = vector.load %arg2[%swap3A_497, %swap3A_498] : memref<8192x128xf32, #tpu.memory_space<vmem>>, vector<128x32xf32>
    tpu.vector_store %arg2[%swap3A_497, %swap3A_498], %slice3A_496 {strides = array<i32>} : memref<8192x128xf32, #tpu.memory_space<vmem>>, vector<128x32xf32>,
    %slice3A_500 = vector.extract_strided_slice %transpose3A {offsets = [16000, 0], sizes = [128, 32], strides = [1, 1]} : vector<32768x32xf32> to vector<128x32xf32>
    %swap3A_501 = arith.constant 3968 : index
    %swap3A_502 = arith.constant 32 : index
    %swap3A_503 = vector.load %arg2[%swap3A_501, %swap3A_502] : memref<8192x128xf32, #tpu.memory_space<vmem>>, vector<128x32xf32>
    tpu.vector_store %arg2[%swap3A_501, %swap3A_502], %slice3A_500 {strides = array<i32>} : memref<8192x128xf32, #tpu.memory_space<vmem>>, vector<128x32xf32>,
    %slice3A_504 = vector.extract_strided_slice %transpose3A {offsets = [16128, 0], sizes = [128, 32], strides = [1, 1]} : vector<32768x32xf32> to vector<128x32xf32>
    %swap3A_505 = arith.constant 3968 : index
    %swap3A_506 = arith.constant 64 : index
    %swap3A_507 = vector.load %arg2[%swap3A_505, %swap3A_506] : memref<8192x128xf32, #tpu.memory_space<vmem>>, vector<128x32xf32>
    tpu.vector_store %arg2[%swap3A_505, %swap3A_506], %slice3A_504 {strides = array<i32>} : memref<8192x128xf32, #tpu.memory_space<vmem>>, vector<128x32xf32>,
    %slice3A_508 = vector.extract_strided_slice %transpose3A {offsets = [16256, 0], sizes = [128, 32], strides = [1, 1]} : vector<32768x32xf32> to vector<128x32xf32>
    %swap3A_509 = arith.constant 3968 : index
    %swap3A_510 = arith.constant 96 : index
    %swap3A_511 = vector.load %arg2[%swap3A_509, %swap3A_510] : memref<8192x128xf32, #tpu.memory_space<vmem>>, vector<128x32xf32>
    tpu.vector_store %arg2[%swap3A_509, %swap3A_510], %slice3A_508 {strides = array<i32>} : memref<8192x128xf32, #tpu.memory_space<vmem>>, vector<128x32xf32>,
    %slice3A_512 = vector.extract_strided_slice %transpose3A {offsets = [16384, 0], sizes = [128, 32], strides = [1, 1]} : vector<32768x32xf32> to vector<128x32xf32>
    %swap3A_513 = arith.constant 4096 : index
    %swap3A_514 = arith.constant 0 : index
    %swap3A_515 = vector.load %arg2[%swap3A_513, %swap3A_514] : memref<8192x128xf32, #tpu.memory_space<vmem>>, vector<128x32xf32>
    tpu.vector_store %arg2[%swap3A_513, %swap3A_514], %slice3A_512 {strides = array<i32>} : memref<8192x128xf32, #tpu.memory_space<vmem>>, vector<128x32xf32>,
    %slice3A_516 = vector.extract_strided_slice %transpose3A {offsets = [16512, 0], sizes = [128, 32], strides = [1, 1]} : vector<32768x32xf32> to vector<128x32xf32>
    %swap3A_517 = arith.constant 4096 : index
    %swap3A_518 = arith.constant 32 : index
    %swap3A_519 = vector.load %arg2[%swap3A_517, %swap3A_518] : memref<8192x128xf32, #tpu.memory_space<vmem>>, vector<128x32xf32>
    tpu.vector_store %arg2[%swap3A_517, %swap3A_518], %slice3A_516 {strides = array<i32>} : memref<8192x128xf32, #tpu.memory_space<vmem>>, vector<128x32xf32>,
    %slice3A_520 = vector.extract_strided_slice %transpose3A {offsets = [16640, 0], sizes = [128, 32], strides = [1, 1]} : vector<32768x32xf32> to vector<128x32xf32>
    %swap3A_521 = arith.constant 4096 : index
    %swap3A_522 = arith.constant 64 : index
    %swap3A_523 = vector.load %arg2[%swap3A_521, %swap3A_522] : memref<8192x128xf32, #tpu.memory_space<vmem>>, vector<128x32xf32>
    tpu.vector_store %arg2[%swap3A_521, %swap3A_522], %slice3A_520 {strides = array<i32>} : memref<8192x128xf32, #tpu.memory_space<vmem>>, vector<128x32xf32>,
    %slice3A_524 = vector.extract_strided_slice %transpose3A {offsets = [16768, 0], sizes = [128, 32], strides = [1, 1]} : vector<32768x32xf32> to vector<128x32xf32>
    %swap3A_525 = arith.constant 4096 : index
    %swap3A_526 = arith.constant 96 : index
    %swap3A_527 = vector.load %arg2[%swap3A_525, %swap3A_526] : memref<8192x128xf32, #tpu.memory_space<vmem>>, vector<128x32xf32>
    tpu.vector_store %arg2[%swap3A_525, %swap3A_526], %slice3A_524 {strides = array<i32>} : memref<8192x128xf32, #tpu.memory_space<vmem>>, vector<128x32xf32>,
    %slice3A_528 = vector.extract_strided_slice %transpose3A {offsets = [16896, 0], sizes = [128, 32], strides = [1, 1]} : vector<32768x32xf32> to vector<128x32xf32>
    %swap3A_529 = arith.constant 4224 : index
    %swap3A_530 = arith.constant 0 : index
    %swap3A_531 = vector.load %arg2[%swap3A_529, %swap3A_530] : memref<8192x128xf32, #tpu.memory_space<vmem>>, vector<128x32xf32>
    tpu.vector_store %arg2[%swap3A_529, %swap3A_530], %slice3A_528 {strides = array<i32>} : memref<8192x128xf32, #tpu.memory_space<vmem>>, vector<128x32xf32>,
    %slice3A_532 = vector.extract_strided_slice %transpose3A {offsets = [17024, 0], sizes = [128, 32], strides = [1, 1]} : vector<32768x32xf32> to vector<128x32xf32>
    %swap3A_533 = arith.constant 4224 : index
    %swap3A_534 = arith.constant 32 : index
    %swap3A_535 = vector.load %arg2[%swap3A_533, %swap3A_534] : memref<8192x128xf32, #tpu.memory_space<vmem>>, vector<128x32xf32>
    tpu.vector_store %arg2[%swap3A_533, %swap3A_534], %slice3A_532 {strides = array<i32>} : memref<8192x128xf32, #tpu.memory_space<vmem>>, vector<128x32xf32>,
    %slice3A_536 = vector.extract_strided_slice %transpose3A {offsets = [17152, 0], sizes = [128, 32], strides = [1, 1]} : vector<32768x32xf32> to vector<128x32xf32>
    %swap3A_537 = arith.constant 4224 : index
    %swap3A_538 = arith.constant 64 : index
    %swap3A_539 = vector.load %arg2[%swap3A_537, %swap3A_538] : memref<8192x128xf32, #tpu.memory_space<vmem>>, vector<128x32xf32>
    tpu.vector_store %arg2[%swap3A_537, %swap3A_538], %slice3A_536 {strides = array<i32>} : memref<8192x128xf32, #tpu.memory_space<vmem>>, vector<128x32xf32>,
    %slice3A_540 = vector.extract_strided_slice %transpose3A {offsets = [17280, 0], sizes = [128, 32], strides = [1, 1]} : vector<32768x32xf32> to vector<128x32xf32>
    %swap3A_541 = arith.constant 4224 : index
    %swap3A_542 = arith.constant 96 : index
    %swap3A_543 = vector.load %arg2[%swap3A_541, %swap3A_542] : memref<8192x128xf32, #tpu.memory_space<vmem>>, vector<128x32xf32>
    tpu.vector_store %arg2[%swap3A_541, %swap3A_542], %slice3A_540 {strides = array<i32>} : memref<8192x128xf32, #tpu.memory_space<vmem>>, vector<128x32xf32>,
    %slice3A_544 = vector.extract_strided_slice %transpose3A {offsets = [17408, 0], sizes = [128, 32], strides = [1, 1]} : vector<32768x32xf32> to vector<128x32xf32>
    %swap3A_545 = arith.constant 4352 : index
    %swap3A_546 = arith.constant 0 : index
    %swap3A_547 = vector.load %arg2[%swap3A_545, %swap3A_546] : memref<8192x128xf32, #tpu.memory_space<vmem>>, vector<128x32xf32>
    tpu.vector_store %arg2[%swap3A_545, %swap3A_546], %slice3A_544 {strides = array<i32>} : memref<8192x128xf32, #tpu.memory_space<vmem>>, vector<128x32xf32>,
    %slice3A_548 = vector.extract_strided_slice %transpose3A {offsets = [17536, 0], sizes = [128, 32], strides = [1, 1]} : vector<32768x32xf32> to vector<128x32xf32>
    %swap3A_549 = arith.constant 4352 : index
    %swap3A_550 = arith.constant 32 : index
    %swap3A_551 = vector.load %arg2[%swap3A_549, %swap3A_550] : memref<8192x128xf32, #tpu.memory_space<vmem>>, vector<128x32xf32>
    tpu.vector_store %arg2[%swap3A_549, %swap3A_550], %slice3A_548 {strides = array<i32>} : memref<8192x128xf32, #tpu.memory_space<vmem>>, vector<128x32xf32>,
    %slice3A_552 = vector.extract_strided_slice %transpose3A {offsets = [17664, 0], sizes = [128, 32], strides = [1, 1]} : vector<32768x32xf32> to vector<128x32xf32>
    %swap3A_553 = arith.constant 4352 : index
    %swap3A_554 = arith.constant 64 : index
    %swap3A_555 = vector.load %arg2[%swap3A_553, %swap3A_554] : memref<8192x128xf32, #tpu.memory_space<vmem>>, vector<128x32xf32>
    tpu.vector_store %arg2[%swap3A_553, %swap3A_554], %slice3A_552 {strides = array<i32>} : memref<8192x128xf32, #tpu.memory_space<vmem>>, vector<128x32xf32>,
    %slice3A_556 = vector.extract_strided_slice %transpose3A {offsets = [17792, 0], sizes = [128, 32], strides = [1, 1]} : vector<32768x32xf32> to vector<128x32xf32>
    %swap3A_557 = arith.constant 4352 : index
    %swap3A_558 = arith.constant 96 : index
    %swap3A_559 = vector.load %arg2[%swap3A_557, %swap3A_558] : memref<8192x128xf32, #tpu.memory_space<vmem>>, vector<128x32xf32>
    tpu.vector_store %arg2[%swap3A_557, %swap3A_558], %slice3A_556 {strides = array<i32>} : memref<8192x128xf32, #tpu.memory_space<vmem>>, vector<128x32xf32>,
    %slice3A_560 = vector.extract_strided_slice %transpose3A {offsets = [17920, 0], sizes = [128, 32], strides = [1, 1]} : vector<32768x32xf32> to vector<128x32xf32>
    %swap3A_561 = arith.constant 4480 : index
    %swap3A_562 = arith.constant 0 : index
    %swap3A_563 = vector.load %arg2[%swap3A_561, %swap3A_562] : memref<8192x128xf32, #tpu.memory_space<vmem>>, vector<128x32xf32>
    tpu.vector_store %arg2[%swap3A_561, %swap3A_562], %slice3A_560 {strides = array<i32>} : memref<8192x128xf32, #tpu.memory_space<vmem>>, vector<128x32xf32>,
    %slice3A_564 = vector.extract_strided_slice %transpose3A {offsets = [18048, 0], sizes = [128, 32], strides = [1, 1]} : vector<32768x32xf32> to vector<128x32xf32>
    %swap3A_565 = arith.constant 4480 : index
    %swap3A_566 = arith.constant 32 : index
    %swap3A_567 = vector.load %arg2[%swap3A_565, %swap3A_566] : memref<8192x128xf32, #tpu.memory_space<vmem>>, vector<128x32xf32>
    tpu.vector_store %arg2[%swap3A_565, %swap3A_566], %slice3A_564 {strides = array<i32>} : memref<8192x128xf32, #tpu.memory_space<vmem>>, vector<128x32xf32>,
    %slice3A_568 = vector.extract_strided_slice %transpose3A {offsets = [18176, 0], sizes = [128, 32], strides = [1, 1]} : vector<32768x32xf32> to vector<128x32xf32>
    %swap3A_569 = arith.constant 4480 : index
    %swap3A_570 = arith.constant 64 : index
    %swap3A_571 = vector.load %arg2[%swap3A_569, %swap3A_570] : memref<8192x128xf32, #tpu.memory_space<vmem>>, vector<128x32xf32>
    tpu.vector_store %arg2[%swap3A_569, %swap3A_570], %slice3A_568 {strides = array<i32>} : memref<8192x128xf32, #tpu.memory_space<vmem>>, vector<128x32xf32>,
    %slice3A_572 = vector.extract_strided_slice %transpose3A {offsets = [18304, 0], sizes = [128, 32], strides = [1, 1]} : vector<32768x32xf32> to vector<128x32xf32>
    %swap3A_573 = arith.constant 4480 : index
    %swap3A_574 = arith.constant 96 : index
    %swap3A_575 = vector.load %arg2[%swap3A_573, %swap3A_574] : memref<8192x128xf32, #tpu.memory_space<vmem>>, vector<128x32xf32>
    tpu.vector_store %arg2[%swap3A_573, %swap3A_574], %slice3A_572 {strides = array<i32>} : memref<8192x128xf32, #tpu.memory_space<vmem>>, vector<128x32xf32>,
    %slice3A_576 = vector.extract_strided_slice %transpose3A {offsets = [18432, 0], sizes = [128, 32], strides = [1, 1]} : vector<32768x32xf32> to vector<128x32xf32>
    %swap3A_577 = arith.constant 4608 : index
    %swap3A_578 = arith.constant 0 : index
    %swap3A_579 = vector.load %arg2[%swap3A_577, %swap3A_578] : memref<8192x128xf32, #tpu.memory_space<vmem>>, vector<128x32xf32>
    tpu.vector_store %arg2[%swap3A_577, %swap3A_578], %slice3A_576 {strides = array<i32>} : memref<8192x128xf32, #tpu.memory_space<vmem>>, vector<128x32xf32>,
    %slice3A_580 = vector.extract_strided_slice %transpose3A {offsets = [18560, 0], sizes = [128, 32], strides = [1, 1]} : vector<32768x32xf32> to vector<128x32xf32>
    %swap3A_581 = arith.constant 4608 : index
    %swap3A_582 = arith.constant 32 : index
    %swap3A_583 = vector.load %arg2[%swap3A_581, %swap3A_582] : memref<8192x128xf32, #tpu.memory_space<vmem>>, vector<128x32xf32>
    tpu.vector_store %arg2[%swap3A_581, %swap3A_582], %slice3A_580 {strides = array<i32>} : memref<8192x128xf32, #tpu.memory_space<vmem>>, vector<128x32xf32>,
    %slice3A_584 = vector.extract_strided_slice %transpose3A {offsets = [18688, 0], sizes = [128, 32], strides = [1, 1]} : vector<32768x32xf32> to vector<128x32xf32>
    %swap3A_585 = arith.constant 4608 : index
    %swap3A_586 = arith.constant 64 : index
    %swap3A_587 = vector.load %arg2[%swap3A_585, %swap3A_586] : memref<8192x128xf32, #tpu.memory_space<vmem>>, vector<128x32xf32>
    tpu.vector_store %arg2[%swap3A_585, %swap3A_586], %slice3A_584 {strides = array<i32>} : memref<8192x128xf32, #tpu.memory_space<vmem>>, vector<128x32xf32>,
    %slice3A_588 = vector.extract_strided_slice %transpose3A {offsets = [18816, 0], sizes = [128, 32], strides = [1, 1]} : vector<32768x32xf32> to vector<128x32xf32>
    %swap3A_589 = arith.constant 4608 : index
    %swap3A_590 = arith.constant 96 : index
    %swap3A_591 = vector.load %arg2[%swap3A_589, %swap3A_590] : memref<8192x128xf32, #tpu.memory_space<vmem>>, vector<128x32xf32>
    tpu.vector_store %arg2[%swap3A_589, %swap3A_590], %slice3A_588 {strides = array<i32>} : memref<8192x128xf32, #tpu.memory_space<vmem>>, vector<128x32xf32>,
    %slice3A_592 = vector.extract_strided_slice %transpose3A {offsets = [18944, 0], sizes = [128, 32], strides = [1, 1]} : vector<32768x32xf32> to vector<128x32xf32>
    %swap3A_593 = arith.constant 4736 : index
    %swap3A_594 = arith.constant 0 : index
    %swap3A_595 = vector.load %arg2[%swap3A_593, %swap3A_594] : memref<8192x128xf32, #tpu.memory_space<vmem>>, vector<128x32xf32>
    tpu.vector_store %arg2[%swap3A_593, %swap3A_594], %slice3A_592 {strides = array<i32>} : memref<8192x128xf32, #tpu.memory_space<vmem>>, vector<128x32xf32>,
    %slice3A_596 = vector.extract_strided_slice %transpose3A {offsets = [19072, 0], sizes = [128, 32], strides = [1, 1]} : vector<32768x32xf32> to vector<128x32xf32>
    %swap3A_597 = arith.constant 4736 : index
    %swap3A_598 = arith.constant 32 : index
    %swap3A_599 = vector.load %arg2[%swap3A_597, %swap3A_598] : memref<8192x128xf32, #tpu.memory_space<vmem>>, vector<128x32xf32>
    tpu.vector_store %arg2[%swap3A_597, %swap3A_598], %slice3A_596 {strides = array<i32>} : memref<8192x128xf32, #tpu.memory_space<vmem>>, vector<128x32xf32>,
    %slice3A_600 = vector.extract_strided_slice %transpose3A {offsets = [19200, 0], sizes = [128, 32], strides = [1, 1]} : vector<32768x32xf32> to vector<128x32xf32>
    %swap3A_601 = arith.constant 4736 : index
    %swap3A_602 = arith.constant 64 : index
    %swap3A_603 = vector.load %arg2[%swap3A_601, %swap3A_602] : memref<8192x128xf32, #tpu.memory_space<vmem>>, vector<128x32xf32>
    tpu.vector_store %arg2[%swap3A_601, %swap3A_602], %slice3A_600 {strides = array<i32>} : memref<8192x128xf32, #tpu.memory_space<vmem>>, vector<128x32xf32>,
    %slice3A_604 = vector.extract_strided_slice %transpose3A {offsets = [19328, 0], sizes = [128, 32], strides = [1, 1]} : vector<32768x32xf32> to vector<128x32xf32>
    %swap3A_605 = arith.constant 4736 : index
    %swap3A_606 = arith.constant 96 : index
    %swap3A_607 = vector.load %arg2[%swap3A_605, %swap3A_606] : memref<8192x128xf32, #tpu.memory_space<vmem>>, vector<128x32xf32>
    tpu.vector_store %arg2[%swap3A_605, %swap3A_606], %slice3A_604 {strides = array<i32>} : memref<8192x128xf32, #tpu.memory_space<vmem>>, vector<128x32xf32>,
    %slice3A_608 = vector.extract_strided_slice %transpose3A {offsets = [19456, 0], sizes = [128, 32], strides = [1, 1]} : vector<32768x32xf32> to vector<128x32xf32>
    %swap3A_609 = arith.constant 4864 : index
    %swap3A_610 = arith.constant 0 : index
    %swap3A_611 = vector.load %arg2[%swap3A_609, %swap3A_610] : memref<8192x128xf32, #tpu.memory_space<vmem>>, vector<128x32xf32>
    tpu.vector_store %arg2[%swap3A_609, %swap3A_610], %slice3A_608 {strides = array<i32>} : memref<8192x128xf32, #tpu.memory_space<vmem>>, vector<128x32xf32>,
    %slice3A_612 = vector.extract_strided_slice %transpose3A {offsets = [19584, 0], sizes = [128, 32], strides = [1, 1]} : vector<32768x32xf32> to vector<128x32xf32>
    %swap3A_613 = arith.constant 4864 : index
    %swap3A_614 = arith.constant 32 : index
    %swap3A_615 = vector.load %arg2[%swap3A_613, %swap3A_614] : memref<8192x128xf32, #tpu.memory_space<vmem>>, vector<128x32xf32>
    tpu.vector_store %arg2[%swap3A_613, %swap3A_614], %slice3A_612 {strides = array<i32>} : memref<8192x128xf32, #tpu.memory_space<vmem>>, vector<128x32xf32>,
    %slice3A_616 = vector.extract_strided_slice %transpose3A {offsets = [19712, 0], sizes = [128, 32], strides = [1, 1]} : vector<32768x32xf32> to vector<128x32xf32>
    %swap3A_617 = arith.constant 4864 : index
    %swap3A_618 = arith.constant 64 : index
    %swap3A_619 = vector.load %arg2[%swap3A_617, %swap3A_618] : memref<8192x128xf32, #tpu.memory_space<vmem>>, vector<128x32xf32>
    tpu.vector_store %arg2[%swap3A_617, %swap3A_618], %slice3A_616 {strides = array<i32>} : memref<8192x128xf32, #tpu.memory_space<vmem>>, vector<128x32xf32>,
    %slice3A_620 = vector.extract_strided_slice %transpose3A {offsets = [19840, 0], sizes = [128, 32], strides = [1, 1]} : vector<32768x32xf32> to vector<128x32xf32>
    %swap3A_621 = arith.constant 4864 : index
    %swap3A_622 = arith.constant 96 : index
    %swap3A_623 = vector.load %arg2[%swap3A_621, %swap3A_622] : memref<8192x128xf32, #tpu.memory_space<vmem>>, vector<128x32xf32>
    tpu.vector_store %arg2[%swap3A_621, %swap3A_622], %slice3A_620 {strides = array<i32>} : memref<8192x128xf32, #tpu.memory_space<vmem>>, vector<128x32xf32>,
    %slice3A_624 = vector.extract_strided_slice %transpose3A {offsets = [19968, 0], sizes = [128, 32], strides = [1, 1]} : vector<32768x32xf32> to vector<128x32xf32>
    %swap3A_625 = arith.constant 4992 : index
    %swap3A_626 = arith.constant 0 : index
    %swap3A_627 = vector.load %arg2[%swap3A_625, %swap3A_626] : memref<8192x128xf32, #tpu.memory_space<vmem>>, vector<128x32xf32>
    tpu.vector_store %arg2[%swap3A_625, %swap3A_626], %slice3A_624 {strides = array<i32>} : memref<8192x128xf32, #tpu.memory_space<vmem>>, vector<128x32xf32>,
    %slice3A_628 = vector.extract_strided_slice %transpose3A {offsets = [20096, 0], sizes = [128, 32], strides = [1, 1]} : vector<32768x32xf32> to vector<128x32xf32>
    %swap3A_629 = arith.constant 4992 : index
    %swap3A_630 = arith.constant 32 : index
    %swap3A_631 = vector.load %arg2[%swap3A_629, %swap3A_630] : memref<8192x128xf32, #tpu.memory_space<vmem>>, vector<128x32xf32>
    tpu.vector_store %arg2[%swap3A_629, %swap3A_630], %slice3A_628 {strides = array<i32>} : memref<8192x128xf32, #tpu.memory_space<vmem>>, vector<128x32xf32>,
    %slice3A_632 = vector.extract_strided_slice %transpose3A {offsets = [20224, 0], sizes = [128, 32], strides = [1, 1]} : vector<32768x32xf32> to vector<128x32xf32>
    %swap3A_633 = arith.constant 4992 : index
    %swap3A_634 = arith.constant 64 : index
    %swap3A_635 = vector.load %arg2[%swap3A_633, %swap3A_634] : memref<8192x128xf32, #tpu.memory_space<vmem>>, vector<128x32xf32>
    tpu.vector_store %arg2[%swap3A_633, %swap3A_634], %slice3A_632 {strides = array<i32>} : memref<8192x128xf32, #tpu.memory_space<vmem>>, vector<128x32xf32>,
    %slice3A_636 = vector.extract_strided_slice %transpose3A {offsets = [20352, 0], sizes = [128, 32], strides = [1, 1]} : vector<32768x32xf32> to vector<128x32xf32>
    %swap3A_637 = arith.constant 4992 : index
    %swap3A_638 = arith.constant 96 : index
    %swap3A_639 = vector.load %arg2[%swap3A_637, %swap3A_638] : memref<8192x128xf32, #tpu.memory_space<vmem>>, vector<128x32xf32>
    tpu.vector_store %arg2[%swap3A_637, %swap3A_638], %slice3A_636 {strides = array<i32>} : memref<8192x128xf32, #tpu.memory_space<vmem>>, vector<128x32xf32>,
    %slice3A_640 = vector.extract_strided_slice %transpose3A {offsets = [20480, 0], sizes = [128, 32], strides = [1, 1]} : vector<32768x32xf32> to vector<128x32xf32>
    %swap3A_641 = arith.constant 5120 : index
    %swap3A_642 = arith.constant 0 : index
    %swap3A_643 = vector.load %arg2[%swap3A_641, %swap3A_642] : memref<8192x128xf32, #tpu.memory_space<vmem>>, vector<128x32xf32>
    tpu.vector_store %arg2[%swap3A_641, %swap3A_642], %slice3A_640 {strides = array<i32>} : memref<8192x128xf32, #tpu.memory_space<vmem>>, vector<128x32xf32>,
    %slice3A_644 = vector.extract_strided_slice %transpose3A {offsets = [20608, 0], sizes = [128, 32], strides = [1, 1]} : vector<32768x32xf32> to vector<128x32xf32>
    %swap3A_645 = arith.constant 5120 : index
    %swap3A_646 = arith.constant 32 : index
    %swap3A_647 = vector.load %arg2[%swap3A_645, %swap3A_646] : memref<8192x128xf32, #tpu.memory_space<vmem>>, vector<128x32xf32>
    tpu.vector_store %arg2[%swap3A_645, %swap3A_646], %slice3A_644 {strides = array<i32>} : memref<8192x128xf32, #tpu.memory_space<vmem>>, vector<128x32xf32>,
    %slice3A_648 = vector.extract_strided_slice %transpose3A {offsets = [20736, 0], sizes = [128, 32], strides = [1, 1]} : vector<32768x32xf32> to vector<128x32xf32>
    %swap3A_649 = arith.constant 5120 : index
    %swap3A_650 = arith.constant 64 : index
    %swap3A_651 = vector.load %arg2[%swap3A_649, %swap3A_650] : memref<8192x128xf32, #tpu.memory_space<vmem>>, vector<128x32xf32>
    tpu.vector_store %arg2[%swap3A_649, %swap3A_650], %slice3A_648 {strides = array<i32>} : memref<8192x128xf32, #tpu.memory_space<vmem>>, vector<128x32xf32>,
    %slice3A_652 = vector.extract_strided_slice %transpose3A {offsets = [20864, 0], sizes = [128, 32], strides = [1, 1]} : vector<32768x32xf32> to vector<128x32xf32>
    %swap3A_653 = arith.constant 5120 : index
    %swap3A_654 = arith.constant 96 : index
    %swap3A_655 = vector.load %arg2[%swap3A_653, %swap3A_654] : memref<8192x128xf32, #tpu.memory_space<vmem>>, vector<128x32xf32>
    tpu.vector_store %arg2[%swap3A_653, %swap3A_654], %slice3A_652 {strides = array<i32>} : memref<8192x128xf32, #tpu.memory_space<vmem>>, vector<128x32xf32>,
    %slice3A_656 = vector.extract_strided_slice %transpose3A {offsets = [20992, 0], sizes = [128, 32], strides = [1, 1]} : vector<32768x32xf32> to vector<128x32xf32>
    %swap3A_657 = arith.constant 5248 : index
    %swap3A_658 = arith.constant 0 : index
    %swap3A_659 = vector.load %arg2[%swap3A_657, %swap3A_658] : memref<8192x128xf32, #tpu.memory_space<vmem>>, vector<128x32xf32>
    tpu.vector_store %arg2[%swap3A_657, %swap3A_658], %slice3A_656 {strides = array<i32>} : memref<8192x128xf32, #tpu.memory_space<vmem>>, vector<128x32xf32>,
    %slice3A_660 = vector.extract_strided_slice %transpose3A {offsets = [21120, 0], sizes = [128, 32], strides = [1, 1]} : vector<32768x32xf32> to vector<128x32xf32>
    %swap3A_661 = arith.constant 5248 : index
    %swap3A_662 = arith.constant 32 : index
    %swap3A_663 = vector.load %arg2[%swap3A_661, %swap3A_662] : memref<8192x128xf32, #tpu.memory_space<vmem>>, vector<128x32xf32>
    tpu.vector_store %arg2[%swap3A_661, %swap3A_662], %slice3A_660 {strides = array<i32>} : memref<8192x128xf32, #tpu.memory_space<vmem>>, vector<128x32xf32>,
    %slice3A_664 = vector.extract_strided_slice %transpose3A {offsets = [21248, 0], sizes = [128, 32], strides = [1, 1]} : vector<32768x32xf32> to vector<128x32xf32>
    %swap3A_665 = arith.constant 5248 : index
    %swap3A_666 = arith.constant 64 : index
    %swap3A_667 = vector.load %arg2[%swap3A_665, %swap3A_666] : memref<8192x128xf32, #tpu.memory_space<vmem>>, vector<128x32xf32>
    tpu.vector_store %arg2[%swap3A_665, %swap3A_666], %slice3A_664 {strides = array<i32>} : memref<8192x128xf32, #tpu.memory_space<vmem>>, vector<128x32xf32>,
    %slice3A_668 = vector.extract_strided_slice %transpose3A {offsets = [21376, 0], sizes = [128, 32], strides = [1, 1]} : vector<32768x32xf32> to vector<128x32xf32>
    %swap3A_669 = arith.constant 5248 : index
    %swap3A_670 = arith.constant 96 : index
    %swap3A_671 = vector.load %arg2[%swap3A_669, %swap3A_670] : memref<8192x128xf32, #tpu.memory_space<vmem>>, vector<128x32xf32>
    tpu.vector_store %arg2[%swap3A_669, %swap3A_670], %slice3A_668 {strides = array<i32>} : memref<8192x128xf32, #tpu.memory_space<vmem>>, vector<128x32xf32>,
    %slice3A_672 = vector.extract_strided_slice %transpose3A {offsets = [21504, 0], sizes = [128, 32], strides = [1, 1]} : vector<32768x32xf32> to vector<128x32xf32>
    %swap3A_673 = arith.constant 5376 : index
    %swap3A_674 = arith.constant 0 : index
    %swap3A_675 = vector.load %arg2[%swap3A_673, %swap3A_674] : memref<8192x128xf32, #tpu.memory_space<vmem>>, vector<128x32xf32>
    tpu.vector_store %arg2[%swap3A_673, %swap3A_674], %slice3A_672 {strides = array<i32>} : memref<8192x128xf32, #tpu.memory_space<vmem>>, vector<128x32xf32>,
    %slice3A_676 = vector.extract_strided_slice %transpose3A {offsets = [21632, 0], sizes = [128, 32], strides = [1, 1]} : vector<32768x32xf32> to vector<128x32xf32>
    %swap3A_677 = arith.constant 5376 : index
    %swap3A_678 = arith.constant 32 : index
    %swap3A_679 = vector.load %arg2[%swap3A_677, %swap3A_678] : memref<8192x128xf32, #tpu.memory_space<vmem>>, vector<128x32xf32>
    tpu.vector_store %arg2[%swap3A_677, %swap3A_678], %slice3A_676 {strides = array<i32>} : memref<8192x128xf32, #tpu.memory_space<vmem>>, vector<128x32xf32>,
    %slice3A_680 = vector.extract_strided_slice %transpose3A {offsets = [21760, 0], sizes = [128, 32], strides = [1, 1]} : vector<32768x32xf32> to vector<128x32xf32>
    %swap3A_681 = arith.constant 5376 : index
    %swap3A_682 = arith.constant 64 : index
    %swap3A_683 = vector.load %arg2[%swap3A_681, %swap3A_682] : memref<8192x128xf32, #tpu.memory_space<vmem>>, vector<128x32xf32>
    tpu.vector_store %arg2[%swap3A_681, %swap3A_682], %slice3A_680 {strides = array<i32>} : memref<8192x128xf32, #tpu.memory_space<vmem>>, vector<128x32xf32>,
    %slice3A_684 = vector.extract_strided_slice %transpose3A {offsets = [21888, 0], sizes = [128, 32], strides = [1, 1]} : vector<32768x32xf32> to vector<128x32xf32>
    %swap3A_685 = arith.constant 5376 : index
    %swap3A_686 = arith.constant 96 : index
    %swap3A_687 = vector.load %arg2[%swap3A_685, %swap3A_686] : memref<8192x128xf32, #tpu.memory_space<vmem>>, vector<128x32xf32>
    tpu.vector_store %arg2[%swap3A_685, %swap3A_686], %slice3A_684 {strides = array<i32>} : memref<8192x128xf32, #tpu.memory_space<vmem>>, vector<128x32xf32>,
    %slice3A_688 = vector.extract_strided_slice %transpose3A {offsets = [22016, 0], sizes = [128, 32], strides = [1, 1]} : vector<32768x32xf32> to vector<128x32xf32>
    %swap3A_689 = arith.constant 5504 : index
    %swap3A_690 = arith.constant 0 : index
    %swap3A_691 = vector.load %arg2[%swap3A_689, %swap3A_690] : memref<8192x128xf32, #tpu.memory_space<vmem>>, vector<128x32xf32>
    tpu.vector_store %arg2[%swap3A_689, %swap3A_690], %slice3A_688 {strides = array<i32>} : memref<8192x128xf32, #tpu.memory_space<vmem>>, vector<128x32xf32>,
    %slice3A_692 = vector.extract_strided_slice %transpose3A {offsets = [22144, 0], sizes = [128, 32], strides = [1, 1]} : vector<32768x32xf32> to vector<128x32xf32>
    %swap3A_693 = arith.constant 5504 : index
    %swap3A_694 = arith.constant 32 : index
    %swap3A_695 = vector.load %arg2[%swap3A_693, %swap3A_694] : memref<8192x128xf32, #tpu.memory_space<vmem>>, vector<128x32xf32>
    tpu.vector_store %arg2[%swap3A_693, %swap3A_694], %slice3A_692 {strides = array<i32>} : memref<8192x128xf32, #tpu.memory_space<vmem>>, vector<128x32xf32>,
    %slice3A_696 = vector.extract_strided_slice %transpose3A {offsets = [22272, 0], sizes = [128, 32], strides = [1, 1]} : vector<32768x32xf32> to vector<128x32xf32>
    %swap3A_697 = arith.constant 5504 : index
    %swap3A_698 = arith.constant 64 : index
    %swap3A_699 = vector.load %arg2[%swap3A_697, %swap3A_698] : memref<8192x128xf32, #tpu.memory_space<vmem>>, vector<128x32xf32>
    tpu.vector_store %arg2[%swap3A_697, %swap3A_698], %slice3A_696 {strides = array<i32>} : memref<8192x128xf32, #tpu.memory_space<vmem>>, vector<128x32xf32>,
    %slice3A_700 = vector.extract_strided_slice %transpose3A {offsets = [22400, 0], sizes = [128, 32], strides = [1, 1]} : vector<32768x32xf32> to vector<128x32xf32>
    %swap3A_701 = arith.constant 5504 : index
    %swap3A_702 = arith.constant 96 : index
    %swap3A_703 = vector.load %arg2[%swap3A_701, %swap3A_702] : memref<8192x128xf32, #tpu.memory_space<vmem>>, vector<128x32xf32>
    tpu.vector_store %arg2[%swap3A_701, %swap3A_702], %slice3A_700 {strides = array<i32>} : memref<8192x128xf32, #tpu.memory_space<vmem>>, vector<128x32xf32>,
    %slice3A_704 = vector.extract_strided_slice %transpose3A {offsets = [22528, 0], sizes = [128, 32], strides = [1, 1]} : vector<32768x32xf32> to vector<128x32xf32>
    %swap3A_705 = arith.constant 5632 : index
    %swap3A_706 = arith.constant 0 : index
    %swap3A_707 = vector.load %arg2[%swap3A_705, %swap3A_706] : memref<8192x128xf32, #tpu.memory_space<vmem>>, vector<128x32xf32>
    tpu.vector_store %arg2[%swap3A_705, %swap3A_706], %slice3A_704 {strides = array<i32>} : memref<8192x128xf32, #tpu.memory_space<vmem>>, vector<128x32xf32>,
    %slice3A_708 = vector.extract_strided_slice %transpose3A {offsets = [22656, 0], sizes = [128, 32], strides = [1, 1]} : vector<32768x32xf32> to vector<128x32xf32>
    %swap3A_709 = arith.constant 5632 : index
    %swap3A_710 = arith.constant 32 : index
    %swap3A_711 = vector.load %arg2[%swap3A_709, %swap3A_710] : memref<8192x128xf32, #tpu.memory_space<vmem>>, vector<128x32xf32>
    tpu.vector_store %arg2[%swap3A_709, %swap3A_710], %slice3A_708 {strides = array<i32>} : memref<8192x128xf32, #tpu.memory_space<vmem>>, vector<128x32xf32>,
    %slice3A_712 = vector.extract_strided_slice %transpose3A {offsets = [22784, 0], sizes = [128, 32], strides = [1, 1]} : vector<32768x32xf32> to vector<128x32xf32>
    %swap3A_713 = arith.constant 5632 : index
    %swap3A_714 = arith.constant 64 : index
    %swap3A_715 = vector.load %arg2[%swap3A_713, %swap3A_714] : memref<8192x128xf32, #tpu.memory_space<vmem>>, vector<128x32xf32>
    tpu.vector_store %arg2[%swap3A_713, %swap3A_714], %slice3A_712 {strides = array<i32>} : memref<8192x128xf32, #tpu.memory_space<vmem>>, vector<128x32xf32>,
    %slice3A_716 = vector.extract_strided_slice %transpose3A {offsets = [22912, 0], sizes = [128, 32], strides = [1, 1]} : vector<32768x32xf32> to vector<128x32xf32>
    %swap3A_717 = arith.constant 5632 : index
    %swap3A_718 = arith.constant 96 : index
    %swap3A_719 = vector.load %arg2[%swap3A_717, %swap3A_718] : memref<8192x128xf32, #tpu.memory_space<vmem>>, vector<128x32xf32>
    tpu.vector_store %arg2[%swap3A_717, %swap3A_718], %slice3A_716 {strides = array<i32>} : memref<8192x128xf32, #tpu.memory_space<vmem>>, vector<128x32xf32>,
    %slice3A_720 = vector.extract_strided_slice %transpose3A {offsets = [23040, 0], sizes = [128, 32], strides = [1, 1]} : vector<32768x32xf32> to vector<128x32xf32>
    %swap3A_721 = arith.constant 5760 : index
    %swap3A_722 = arith.constant 0 : index
    %swap3A_723 = vector.load %arg2[%swap3A_721, %swap3A_722] : memref<8192x128xf32, #tpu.memory_space<vmem>>, vector<128x32xf32>
    tpu.vector_store %arg2[%swap3A_721, %swap3A_722], %slice3A_720 {strides = array<i32>} : memref<8192x128xf32, #tpu.memory_space<vmem>>, vector<128x32xf32>,
    %slice3A_724 = vector.extract_strided_slice %transpose3A {offsets = [23168, 0], sizes = [128, 32], strides = [1, 1]} : vector<32768x32xf32> to vector<128x32xf32>
    %swap3A_725 = arith.constant 5760 : index
    %swap3A_726 = arith.constant 32 : index
    %swap3A_727 = vector.load %arg2[%swap3A_725, %swap3A_726] : memref<8192x128xf32, #tpu.memory_space<vmem>>, vector<128x32xf32>
    tpu.vector_store %arg2[%swap3A_725, %swap3A_726], %slice3A_724 {strides = array<i32>} : memref<8192x128xf32, #tpu.memory_space<vmem>>, vector<128x32xf32>,
    %slice3A_728 = vector.extract_strided_slice %transpose3A {offsets = [23296, 0], sizes = [128, 32], strides = [1, 1]} : vector<32768x32xf32> to vector<128x32xf32>
    %swap3A_729 = arith.constant 5760 : index
    %swap3A_730 = arith.constant 64 : index
    %swap3A_731 = vector.load %arg2[%swap3A_729, %swap3A_730] : memref<8192x128xf32, #tpu.memory_space<vmem>>, vector<128x32xf32>
    tpu.vector_store %arg2[%swap3A_729, %swap3A_730], %slice3A_728 {strides = array<i32>} : memref<8192x128xf32, #tpu.memory_space<vmem>>, vector<128x32xf32>,
    %slice3A_732 = vector.extract_strided_slice %transpose3A {offsets = [23424, 0], sizes = [128, 32], strides = [1, 1]} : vector<32768x32xf32> to vector<128x32xf32>
    %swap3A_733 = arith.constant 5760 : index
    %swap3A_734 = arith.constant 96 : index
    %swap3A_735 = vector.load %arg2[%swap3A_733, %swap3A_734] : memref<8192x128xf32, #tpu.memory_space<vmem>>, vector<128x32xf32>
    tpu.vector_store %arg2[%swap3A_733, %swap3A_734], %slice3A_732 {strides = array<i32>} : memref<8192x128xf32, #tpu.memory_space<vmem>>, vector<128x32xf32>,
    %slice3A_736 = vector.extract_strided_slice %transpose3A {offsets = [23552, 0], sizes = [128, 32], strides = [1, 1]} : vector<32768x32xf32> to vector<128x32xf32>
    %swap3A_737 = arith.constant 5888 : index
    %swap3A_738 = arith.constant 0 : index
    %swap3A_739 = vector.load %arg2[%swap3A_737, %swap3A_738] : memref<8192x128xf32, #tpu.memory_space<vmem>>, vector<128x32xf32>
    tpu.vector_store %arg2[%swap3A_737, %swap3A_738], %slice3A_736 {strides = array<i32>} : memref<8192x128xf32, #tpu.memory_space<vmem>>, vector<128x32xf32>,
    %slice3A_740 = vector.extract_strided_slice %transpose3A {offsets = [23680, 0], sizes = [128, 32], strides = [1, 1]} : vector<32768x32xf32> to vector<128x32xf32>
    %swap3A_741 = arith.constant 5888 : index
    %swap3A_742 = arith.constant 32 : index
    %swap3A_743 = vector.load %arg2[%swap3A_741, %swap3A_742] : memref<8192x128xf32, #tpu.memory_space<vmem>>, vector<128x32xf32>
    tpu.vector_store %arg2[%swap3A_741, %swap3A_742], %slice3A_740 {strides = array<i32>} : memref<8192x128xf32, #tpu.memory_space<vmem>>, vector<128x32xf32>,
    %slice3A_744 = vector.extract_strided_slice %transpose3A {offsets = [23808, 0], sizes = [128, 32], strides = [1, 1]} : vector<32768x32xf32> to vector<128x32xf32>
    %swap3A_745 = arith.constant 5888 : index
    %swap3A_746 = arith.constant 64 : index
    %swap3A_747 = vector.load %arg2[%swap3A_745, %swap3A_746] : memref<8192x128xf32, #tpu.memory_space<vmem>>, vector<128x32xf32>
    tpu.vector_store %arg2[%swap3A_745, %swap3A_746], %slice3A_744 {strides = array<i32>} : memref<8192x128xf32, #tpu.memory_space<vmem>>, vector<128x32xf32>,
    %slice3A_748 = vector.extract_strided_slice %transpose3A {offsets = [23936, 0], sizes = [128, 32], strides = [1, 1]} : vector<32768x32xf32> to vector<128x32xf32>
    %swap3A_749 = arith.constant 5888 : index
    %swap3A_750 = arith.constant 96 : index
    %swap3A_751 = vector.load %arg2[%swap3A_749, %swap3A_750] : memref<8192x128xf32, #tpu.memory_space<vmem>>, vector<128x32xf32>
    tpu.vector_store %arg2[%swap3A_749, %swap3A_750], %slice3A_748 {strides = array<i32>} : memref<8192x128xf32, #tpu.memory_space<vmem>>, vector<128x32xf32>,
    %slice3A_752 = vector.extract_strided_slice %transpose3A {offsets = [24064, 0], sizes = [128, 32], strides = [1, 1]} : vector<32768x32xf32> to vector<128x32xf32>
    %swap3A_753 = arith.constant 6016 : index
    %swap3A_754 = arith.constant 0 : index
    %swap3A_755 = vector.load %arg2[%swap3A_753, %swap3A_754] : memref<8192x128xf32, #tpu.memory_space<vmem>>, vector<128x32xf32>
    tpu.vector_store %arg2[%swap3A_753, %swap3A_754], %slice3A_752 {strides = array<i32>} : memref<8192x128xf32, #tpu.memory_space<vmem>>, vector<128x32xf32>,
    %slice3A_756 = vector.extract_strided_slice %transpose3A {offsets = [24192, 0], sizes = [128, 32], strides = [1, 1]} : vector<32768x32xf32> to vector<128x32xf32>
    %swap3A_757 = arith.constant 6016 : index
    %swap3A_758 = arith.constant 32 : index
    %swap3A_759 = vector.load %arg2[%swap3A_757, %swap3A_758] : memref<8192x128xf32, #tpu.memory_space<vmem>>, vector<128x32xf32>
    tpu.vector_store %arg2[%swap3A_757, %swap3A_758], %slice3A_756 {strides = array<i32>} : memref<8192x128xf32, #tpu.memory_space<vmem>>, vector<128x32xf32>,
    %slice3A_760 = vector.extract_strided_slice %transpose3A {offsets = [24320, 0], sizes = [128, 32], strides = [1, 1]} : vector<32768x32xf32> to vector<128x32xf32>
    %swap3A_761 = arith.constant 6016 : index
    %swap3A_762 = arith.constant 64 : index
    %swap3A_763 = vector.load %arg2[%swap3A_761, %swap3A_762] : memref<8192x128xf32, #tpu.memory_space<vmem>>, vector<128x32xf32>
    tpu.vector_store %arg2[%swap3A_761, %swap3A_762], %slice3A_760 {strides = array<i32>} : memref<8192x128xf32, #tpu.memory_space<vmem>>, vector<128x32xf32>,
    %slice3A_764 = vector.extract_strided_slice %transpose3A {offsets = [24448, 0], sizes = [128, 32], strides = [1, 1]} : vector<32768x32xf32> to vector<128x32xf32>
    %swap3A_765 = arith.constant 6016 : index
    %swap3A_766 = arith.constant 96 : index
    %swap3A_767 = vector.load %arg2[%swap3A_765, %swap3A_766] : memref<8192x128xf32, #tpu.memory_space<vmem>>, vector<128x32xf32>
    tpu.vector_store %arg2[%swap3A_765, %swap3A_766], %slice3A_764 {strides = array<i32>} : memref<8192x128xf32, #tpu.memory_space<vmem>>, vector<128x32xf32>,
    %slice3A_768 = vector.extract_strided_slice %transpose3A {offsets = [24576, 0], sizes = [128, 32], strides = [1, 1]} : vector<32768x32xf32> to vector<128x32xf32>
    %swap3A_769 = arith.constant 6144 : index
    %swap3A_770 = arith.constant 0 : index
    %swap3A_771 = vector.load %arg2[%swap3A_769, %swap3A_770] : memref<8192x128xf32, #tpu.memory_space<vmem>>, vector<128x32xf32>
    tpu.vector_store %arg2[%swap3A_769, %swap3A_770], %slice3A_768 {strides = array<i32>} : memref<8192x128xf32, #tpu.memory_space<vmem>>, vector<128x32xf32>,
    %slice3A_772 = vector.extract_strided_slice %transpose3A {offsets = [24704, 0], sizes = [128, 32], strides = [1, 1]} : vector<32768x32xf32> to vector<128x32xf32>
    %swap3A_773 = arith.constant 6144 : index
    %swap3A_774 = arith.constant 32 : index
    %swap3A_775 = vector.load %arg2[%swap3A_773, %swap3A_774] : memref<8192x128xf32, #tpu.memory_space<vmem>>, vector<128x32xf32>
    tpu.vector_store %arg2[%swap3A_773, %swap3A_774], %slice3A_772 {strides = array<i32>} : memref<8192x128xf32, #tpu.memory_space<vmem>>, vector<128x32xf32>,
    %slice3A_776 = vector.extract_strided_slice %transpose3A {offsets = [24832, 0], sizes = [128, 32], strides = [1, 1]} : vector<32768x32xf32> to vector<128x32xf32>
    %swap3A_777 = arith.constant 6144 : index
    %swap3A_778 = arith.constant 64 : index
    %swap3A_779 = vector.load %arg2[%swap3A_777, %swap3A_778] : memref<8192x128xf32, #tpu.memory_space<vmem>>, vector<128x32xf32>
    tpu.vector_store %arg2[%swap3A_777, %swap3A_778], %slice3A_776 {strides = array<i32>} : memref<8192x128xf32, #tpu.memory_space<vmem>>, vector<128x32xf32>,
    %slice3A_780 = vector.extract_strided_slice %transpose3A {offsets = [24960, 0], sizes = [128, 32], strides = [1, 1]} : vector<32768x32xf32> to vector<128x32xf32>
    %swap3A_781 = arith.constant 6144 : index
    %swap3A_782 = arith.constant 96 : index
    %swap3A_783 = vector.load %arg2[%swap3A_781, %swap3A_782] : memref<8192x128xf32, #tpu.memory_space<vmem>>, vector<128x32xf32>
    tpu.vector_store %arg2[%swap3A_781, %swap3A_782], %slice3A_780 {strides = array<i32>} : memref<8192x128xf32, #tpu.memory_space<vmem>>, vector<128x32xf32>,
    %slice3A_784 = vector.extract_strided_slice %transpose3A {offsets = [25088, 0], sizes = [128, 32], strides = [1, 1]} : vector<32768x32xf32> to vector<128x32xf32>
    %swap3A_785 = arith.constant 6272 : index
    %swap3A_786 = arith.constant 0 : index
    %swap3A_787 = vector.load %arg2[%swap3A_785, %swap3A_786] : memref<8192x128xf32, #tpu.memory_space<vmem>>, vector<128x32xf32>
    tpu.vector_store %arg2[%swap3A_785, %swap3A_786], %slice3A_784 {strides = array<i32>} : memref<8192x128xf32, #tpu.memory_space<vmem>>, vector<128x32xf32>,
    %slice3A_788 = vector.extract_strided_slice %transpose3A {offsets = [25216, 0], sizes = [128, 32], strides = [1, 1]} : vector<32768x32xf32> to vector<128x32xf32>
    %swap3A_789 = arith.constant 6272 : index
    %swap3A_790 = arith.constant 32 : index
    %swap3A_791 = vector.load %arg2[%swap3A_789, %swap3A_790] : memref<8192x128xf32, #tpu.memory_space<vmem>>, vector<128x32xf32>
    tpu.vector_store %arg2[%swap3A_789, %swap3A_790], %slice3A_788 {strides = array<i32>} : memref<8192x128xf32, #tpu.memory_space<vmem>>, vector<128x32xf32>,
    %slice3A_792 = vector.extract_strided_slice %transpose3A {offsets = [25344, 0], sizes = [128, 32], strides = [1, 1]} : vector<32768x32xf32> to vector<128x32xf32>
    %swap3A_793 = arith.constant 6272 : index
    %swap3A_794 = arith.constant 64 : index
    %swap3A_795 = vector.load %arg2[%swap3A_793, %swap3A_794] : memref<8192x128xf32, #tpu.memory_space<vmem>>, vector<128x32xf32>
    tpu.vector_store %arg2[%swap3A_793, %swap3A_794], %slice3A_792 {strides = array<i32>} : memref<8192x128xf32, #tpu.memory_space<vmem>>, vector<128x32xf32>,
    %slice3A_796 = vector.extract_strided_slice %transpose3A {offsets = [25472, 0], sizes = [128, 32], strides = [1, 1]} : vector<32768x32xf32> to vector<128x32xf32>
    %swap3A_797 = arith.constant 6272 : index
    %swap3A_798 = arith.constant 96 : index
    %swap3A_799 = vector.load %arg2[%swap3A_797, %swap3A_798] : memref<8192x128xf32, #tpu.memory_space<vmem>>, vector<128x32xf32>
    tpu.vector_store %arg2[%swap3A_797, %swap3A_798], %slice3A_796 {strides = array<i32>} : memref<8192x128xf32, #tpu.memory_space<vmem>>, vector<128x32xf32>,
    %slice3A_800 = vector.extract_strided_slice %transpose3A {offsets = [25600, 0], sizes = [128, 32], strides = [1, 1]} : vector<32768x32xf32> to vector<128x32xf32>
    %swap3A_801 = arith.constant 6400 : index
    %swap3A_802 = arith.constant 0 : index
    %swap3A_803 = vector.load %arg2[%swap3A_801, %swap3A_802] : memref<8192x128xf32, #tpu.memory_space<vmem>>, vector<128x32xf32>
    tpu.vector_store %arg2[%swap3A_801, %swap3A_802], %slice3A_800 {strides = array<i32>} : memref<8192x128xf32, #tpu.memory_space<vmem>>, vector<128x32xf32>,
    %slice3A_804 = vector.extract_strided_slice %transpose3A {offsets = [25728, 0], sizes = [128, 32], strides = [1, 1]} : vector<32768x32xf32> to vector<128x32xf32>
    %swap3A_805 = arith.constant 6400 : index
    %swap3A_806 = arith.constant 32 : index
    %swap3A_807 = vector.load %arg2[%swap3A_805, %swap3A_806] : memref<8192x128xf32, #tpu.memory_space<vmem>>, vector<128x32xf32>
    tpu.vector_store %arg2[%swap3A_805, %swap3A_806], %slice3A_804 {strides = array<i32>} : memref<8192x128xf32, #tpu.memory_space<vmem>>, vector<128x32xf32>,
    %slice3A_808 = vector.extract_strided_slice %transpose3A {offsets = [25856, 0], sizes = [128, 32], strides = [1, 1]} : vector<32768x32xf32> to vector<128x32xf32>
    %swap3A_809 = arith.constant 6400 : index
    %swap3A_810 = arith.constant 64 : index
    %swap3A_811 = vector.load %arg2[%swap3A_809, %swap3A_810] : memref<8192x128xf32, #tpu.memory_space<vmem>>, vector<128x32xf32>
    tpu.vector_store %arg2[%swap3A_809, %swap3A_810], %slice3A_808 {strides = array<i32>} : memref<8192x128xf32, #tpu.memory_space<vmem>>, vector<128x32xf32>,
    %slice3A_812 = vector.extract_strided_slice %transpose3A {offsets = [25984, 0], sizes = [128, 32], strides = [1, 1]} : vector<32768x32xf32> to vector<128x32xf32>
    %swap3A_813 = arith.constant 6400 : index
    %swap3A_814 = arith.constant 96 : index
    %swap3A_815 = vector.load %arg2[%swap3A_813, %swap3A_814] : memref<8192x128xf32, #tpu.memory_space<vmem>>, vector<128x32xf32>
    tpu.vector_store %arg2[%swap3A_813, %swap3A_814], %slice3A_812 {strides = array<i32>} : memref<8192x128xf32, #tpu.memory_space<vmem>>, vector<128x32xf32>,
    %slice3A_816 = vector.extract_strided_slice %transpose3A {offsets = [26112, 0], sizes = [128, 32], strides = [1, 1]} : vector<32768x32xf32> to vector<128x32xf32>
    %swap3A_817 = arith.constant 6528 : index
    %swap3A_818 = arith.constant 0 : index
    %swap3A_819 = vector.load %arg2[%swap3A_817, %swap3A_818] : memref<8192x128xf32, #tpu.memory_space<vmem>>, vector<128x32xf32>
    tpu.vector_store %arg2[%swap3A_817, %swap3A_818], %slice3A_816 {strides = array<i32>} : memref<8192x128xf32, #tpu.memory_space<vmem>>, vector<128x32xf32>,
    %slice3A_820 = vector.extract_strided_slice %transpose3A {offsets = [26240, 0], sizes = [128, 32], strides = [1, 1]} : vector<32768x32xf32> to vector<128x32xf32>
    %swap3A_821 = arith.constant 6528 : index
    %swap3A_822 = arith.constant 32 : index
    %swap3A_823 = vector.load %arg2[%swap3A_821, %swap3A_822] : memref<8192x128xf32, #tpu.memory_space<vmem>>, vector<128x32xf32>
    tpu.vector_store %arg2[%swap3A_821, %swap3A_822], %slice3A_820 {strides = array<i32>} : memref<8192x128xf32, #tpu.memory_space<vmem>>, vector<128x32xf32>,
    %slice3A_824 = vector.extract_strided_slice %transpose3A {offsets = [26368, 0], sizes = [128, 32], strides = [1, 1]} : vector<32768x32xf32> to vector<128x32xf32>
    %swap3A_825 = arith.constant 6528 : index
    %swap3A_826 = arith.constant 64 : index
    %swap3A_827 = vector.load %arg2[%swap3A_825, %swap3A_826] : memref<8192x128xf32, #tpu.memory_space<vmem>>, vector<128x32xf32>
    tpu.vector_store %arg2[%swap3A_825, %swap3A_826], %slice3A_824 {strides = array<i32>} : memref<8192x128xf32, #tpu.memory_space<vmem>>, vector<128x32xf32>,
    %slice3A_828 = vector.extract_strided_slice %transpose3A {offsets = [26496, 0], sizes = [128, 32], strides = [1, 1]} : vector<32768x32xf32> to vector<128x32xf32>
    %swap3A_829 = arith.constant 6528 : index
    %swap3A_830 = arith.constant 96 : index
    %swap3A_831 = vector.load %arg2[%swap3A_829, %swap3A_830] : memref<8192x128xf32, #tpu.memory_space<vmem>>, vector<128x32xf32>
    tpu.vector_store %arg2[%swap3A_829, %swap3A_830], %slice3A_828 {strides = array<i32>} : memref<8192x128xf32, #tpu.memory_space<vmem>>, vector<128x32xf32>,
    %slice3A_832 = vector.extract_strided_slice %transpose3A {offsets = [26624, 0], sizes = [128, 32], strides = [1, 1]} : vector<32768x32xf32> to vector<128x32xf32>
    %swap3A_833 = arith.constant 6656 : index
    %swap3A_834 = arith.constant 0 : index
    %swap3A_835 = vector.load %arg2[%swap3A_833, %swap3A_834] : memref<8192x128xf32, #tpu.memory_space<vmem>>, vector<128x32xf32>
    tpu.vector_store %arg2[%swap3A_833, %swap3A_834], %slice3A_832 {strides = array<i32>} : memref<8192x128xf32, #tpu.memory_space<vmem>>, vector<128x32xf32>,
    %slice3A_836 = vector.extract_strided_slice %transpose3A {offsets = [26752, 0], sizes = [128, 32], strides = [1, 1]} : vector<32768x32xf32> to vector<128x32xf32>
    %swap3A_837 = arith.constant 6656 : index
    %swap3A_838 = arith.constant 32 : index
    %swap3A_839 = vector.load %arg2[%swap3A_837, %swap3A_838] : memref<8192x128xf32, #tpu.memory_space<vmem>>, vector<128x32xf32>
    tpu.vector_store %arg2[%swap3A_837, %swap3A_838], %slice3A_836 {strides = array<i32>} : memref<8192x128xf32, #tpu.memory_space<vmem>>, vector<128x32xf32>,
    %slice3A_840 = vector.extract_strided_slice %transpose3A {offsets = [26880, 0], sizes = [128, 32], strides = [1, 1]} : vector<32768x32xf32> to vector<128x32xf32>
    %swap3A_841 = arith.constant 6656 : index
    %swap3A_842 = arith.constant 64 : index
    %swap3A_843 = vector.load %arg2[%swap3A_841, %swap3A_842] : memref<8192x128xf32, #tpu.memory_space<vmem>>, vector<128x32xf32>
    tpu.vector_store %arg2[%swap3A_841, %swap3A_842], %slice3A_840 {strides = array<i32>} : memref<8192x128xf32, #tpu.memory_space<vmem>>, vector<128x32xf32>,
    %slice3A_844 = vector.extract_strided_slice %transpose3A {offsets = [27008, 0], sizes = [128, 32], strides = [1, 1]} : vector<32768x32xf32> to vector<128x32xf32>
    %swap3A_845 = arith.constant 6656 : index
    %swap3A_846 = arith.constant 96 : index
    %swap3A_847 = vector.load %arg2[%swap3A_845, %swap3A_846] : memref<8192x128xf32, #tpu.memory_space<vmem>>, vector<128x32xf32>
    tpu.vector_store %arg2[%swap3A_845, %swap3A_846], %slice3A_844 {strides = array<i32>} : memref<8192x128xf32, #tpu.memory_space<vmem>>, vector<128x32xf32>,
    %slice3A_848 = vector.extract_strided_slice %transpose3A {offsets = [27136, 0], sizes = [128, 32], strides = [1, 1]} : vector<32768x32xf32> to vector<128x32xf32>
    %swap3A_849 = arith.constant 6784 : index
    %swap3A_850 = arith.constant 0 : index
    %swap3A_851 = vector.load %arg2[%swap3A_849, %swap3A_850] : memref<8192x128xf32, #tpu.memory_space<vmem>>, vector<128x32xf32>
    tpu.vector_store %arg2[%swap3A_849, %swap3A_850], %slice3A_848 {strides = array<i32>} : memref<8192x128xf32, #tpu.memory_space<vmem>>, vector<128x32xf32>,
    %slice3A_852 = vector.extract_strided_slice %transpose3A {offsets = [27264, 0], sizes = [128, 32], strides = [1, 1]} : vector<32768x32xf32> to vector<128x32xf32>
    %swap3A_853 = arith.constant 6784 : index
    %swap3A_854 = arith.constant 32 : index
    %swap3A_855 = vector.load %arg2[%swap3A_853, %swap3A_854] : memref<8192x128xf32, #tpu.memory_space<vmem>>, vector<128x32xf32>
    tpu.vector_store %arg2[%swap3A_853, %swap3A_854], %slice3A_852 {strides = array<i32>} : memref<8192x128xf32, #tpu.memory_space<vmem>>, vector<128x32xf32>,
    %slice3A_856 = vector.extract_strided_slice %transpose3A {offsets = [27392, 0], sizes = [128, 32], strides = [1, 1]} : vector<32768x32xf32> to vector<128x32xf32>
    %swap3A_857 = arith.constant 6784 : index
    %swap3A_858 = arith.constant 64 : index
    %swap3A_859 = vector.load %arg2[%swap3A_857, %swap3A_858] : memref<8192x128xf32, #tpu.memory_space<vmem>>, vector<128x32xf32>
    tpu.vector_store %arg2[%swap3A_857, %swap3A_858], %slice3A_856 {strides = array<i32>} : memref<8192x128xf32, #tpu.memory_space<vmem>>, vector<128x32xf32>,
    %slice3A_860 = vector.extract_strided_slice %transpose3A {offsets = [27520, 0], sizes = [128, 32], strides = [1, 1]} : vector<32768x32xf32> to vector<128x32xf32>
    %swap3A_861 = arith.constant 6784 : index
    %swap3A_862 = arith.constant 96 : index
    %swap3A_863 = vector.load %arg2[%swap3A_861, %swap3A_862] : memref<8192x128xf32, #tpu.memory_space<vmem>>, vector<128x32xf32>
    tpu.vector_store %arg2[%swap3A_861, %swap3A_862], %slice3A_860 {strides = array<i32>} : memref<8192x128xf32, #tpu.memory_space<vmem>>, vector<128x32xf32>,
    %slice3A_864 = vector.extract_strided_slice %transpose3A {offsets = [27648, 0], sizes = [128, 32], strides = [1, 1]} : vector<32768x32xf32> to vector<128x32xf32>
    %swap3A_865 = arith.constant 6912 : index
    %swap3A_866 = arith.constant 0 : index
    %swap3A_867 = vector.load %arg2[%swap3A_865, %swap3A_866] : memref<8192x128xf32, #tpu.memory_space<vmem>>, vector<128x32xf32>
    tpu.vector_store %arg2[%swap3A_865, %swap3A_866], %slice3A_864 {strides = array<i32>} : memref<8192x128xf32, #tpu.memory_space<vmem>>, vector<128x32xf32>,
    %slice3A_868 = vector.extract_strided_slice %transpose3A {offsets = [27776, 0], sizes = [128, 32], strides = [1, 1]} : vector<32768x32xf32> to vector<128x32xf32>
    %swap3A_869 = arith.constant 6912 : index
    %swap3A_870 = arith.constant 32 : index
    %swap3A_871 = vector.load %arg2[%swap3A_869, %swap3A_870] : memref<8192x128xf32, #tpu.memory_space<vmem>>, vector<128x32xf32>
    tpu.vector_store %arg2[%swap3A_869, %swap3A_870], %slice3A_868 {strides = array<i32>} : memref<8192x128xf32, #tpu.memory_space<vmem>>, vector<128x32xf32>,
    %slice3A_872 = vector.extract_strided_slice %transpose3A {offsets = [27904, 0], sizes = [128, 32], strides = [1, 1]} : vector<32768x32xf32> to vector<128x32xf32>
    %swap3A_873 = arith.constant 6912 : index
    %swap3A_874 = arith.constant 64 : index
    %swap3A_875 = vector.load %arg2[%swap3A_873, %swap3A_874] : memref<8192x128xf32, #tpu.memory_space<vmem>>, vector<128x32xf32>
    tpu.vector_store %arg2[%swap3A_873, %swap3A_874], %slice3A_872 {strides = array<i32>} : memref<8192x128xf32, #tpu.memory_space<vmem>>, vector<128x32xf32>,
    %slice3A_876 = vector.extract_strided_slice %transpose3A {offsets = [28032, 0], sizes = [128, 32], strides = [1, 1]} : vector<32768x32xf32> to vector<128x32xf32>
    %swap3A_877 = arith.constant 6912 : index
    %swap3A_878 = arith.constant 96 : index
    %swap3A_879 = vector.load %arg2[%swap3A_877, %swap3A_878] : memref<8192x128xf32, #tpu.memory_space<vmem>>, vector<128x32xf32>
    tpu.vector_store %arg2[%swap3A_877, %swap3A_878], %slice3A_876 {strides = array<i32>} : memref<8192x128xf32, #tpu.memory_space<vmem>>, vector<128x32xf32>,
    %slice3A_880 = vector.extract_strided_slice %transpose3A {offsets = [28160, 0], sizes = [128, 32], strides = [1, 1]} : vector<32768x32xf32> to vector<128x32xf32>
    %swap3A_881 = arith.constant 7040 : index
    %swap3A_882 = arith.constant 0 : index
    %swap3A_883 = vector.load %arg2[%swap3A_881, %swap3A_882] : memref<8192x128xf32, #tpu.memory_space<vmem>>, vector<128x32xf32>
    tpu.vector_store %arg2[%swap3A_881, %swap3A_882], %slice3A_880 {strides = array<i32>} : memref<8192x128xf32, #tpu.memory_space<vmem>>, vector<128x32xf32>,
    %slice3A_884 = vector.extract_strided_slice %transpose3A {offsets = [28288, 0], sizes = [128, 32], strides = [1, 1]} : vector<32768x32xf32> to vector<128x32xf32>
    %swap3A_885 = arith.constant 7040 : index
    %swap3A_886 = arith.constant 32 : index
    %swap3A_887 = vector.load %arg2[%swap3A_885, %swap3A_886] : memref<8192x128xf32, #tpu.memory_space<vmem>>, vector<128x32xf32>
    tpu.vector_store %arg2[%swap3A_885, %swap3A_886], %slice3A_884 {strides = array<i32>} : memref<8192x128xf32, #tpu.memory_space<vmem>>, vector<128x32xf32>,
    %slice3A_888 = vector.extract_strided_slice %transpose3A {offsets = [28416, 0], sizes = [128, 32], strides = [1, 1]} : vector<32768x32xf32> to vector<128x32xf32>
    %swap3A_889 = arith.constant 7040 : index
    %swap3A_890 = arith.constant 64 : index
    %swap3A_891 = vector.load %arg2[%swap3A_889, %swap3A_890] : memref<8192x128xf32, #tpu.memory_space<vmem>>, vector<128x32xf32>
    tpu.vector_store %arg2[%swap3A_889, %swap3A_890], %slice3A_888 {strides = array<i32>} : memref<8192x128xf32, #tpu.memory_space<vmem>>, vector<128x32xf32>,
    %slice3A_892 = vector.extract_strided_slice %transpose3A {offsets = [28544, 0], sizes = [128, 32], strides = [1, 1]} : vector<32768x32xf32> to vector<128x32xf32>
    %swap3A_893 = arith.constant 7040 : index
    %swap3A_894 = arith.constant 96 : index
    %swap3A_895 = vector.load %arg2[%swap3A_893, %swap3A_894] : memref<8192x128xf32, #tpu.memory_space<vmem>>, vector<128x32xf32>
    tpu.vector_store %arg2[%swap3A_893, %swap3A_894], %slice3A_892 {strides = array<i32>} : memref<8192x128xf32, #tpu.memory_space<vmem>>, vector<128x32xf32>,
    %slice3A_896 = vector.extract_strided_slice %transpose3A {offsets = [28672, 0], sizes = [128, 32], strides = [1, 1]} : vector<32768x32xf32> to vector<128x32xf32>
    %swap3A_897 = arith.constant 7168 : index
    %swap3A_898 = arith.constant 0 : index
    %swap3A_899 = vector.load %arg2[%swap3A_897, %swap3A_898] : memref<8192x128xf32, #tpu.memory_space<vmem>>, vector<128x32xf32>
    tpu.vector_store %arg2[%swap3A_897, %swap3A_898], %slice3A_896 {strides = array<i32>} : memref<8192x128xf32, #tpu.memory_space<vmem>>, vector<128x32xf32>,
    %slice3A_900 = vector.extract_strided_slice %transpose3A {offsets = [28800, 0], sizes = [128, 32], strides = [1, 1]} : vector<32768x32xf32> to vector<128x32xf32>
    %swap3A_901 = arith.constant 7168 : index
    %swap3A_902 = arith.constant 32 : index
    %swap3A_903 = vector.load %arg2[%swap3A_901, %swap3A_902] : memref<8192x128xf32, #tpu.memory_space<vmem>>, vector<128x32xf32>
    tpu.vector_store %arg2[%swap3A_901, %swap3A_902], %slice3A_900 {strides = array<i32>} : memref<8192x128xf32, #tpu.memory_space<vmem>>, vector<128x32xf32>,
    %slice3A_904 = vector.extract_strided_slice %transpose3A {offsets = [28928, 0], sizes = [128, 32], strides = [1, 1]} : vector<32768x32xf32> to vector<128x32xf32>
    %swap3A_905 = arith.constant 7168 : index
    %swap3A_906 = arith.constant 64 : index
    %swap3A_907 = vector.load %arg2[%swap3A_905, %swap3A_906] : memref<8192x128xf32, #tpu.memory_space<vmem>>, vector<128x32xf32>
    tpu.vector_store %arg2[%swap3A_905, %swap3A_906], %slice3A_904 {strides = array<i32>} : memref<8192x128xf32, #tpu.memory_space<vmem>>, vector<128x32xf32>,
    %slice3A_908 = vector.extract_strided_slice %transpose3A {offsets = [29056, 0], sizes = [128, 32], strides = [1, 1]} : vector<32768x32xf32> to vector<128x32xf32>
    %swap3A_909 = arith.constant 7168 : index
    %swap3A_910 = arith.constant 96 : index
    %swap3A_911 = vector.load %arg2[%swap3A_909, %swap3A_910] : memref<8192x128xf32, #tpu.memory_space<vmem>>, vector<128x32xf32>
    tpu.vector_store %arg2[%swap3A_909, %swap3A_910], %slice3A_908 {strides = array<i32>} : memref<8192x128xf32, #tpu.memory_space<vmem>>, vector<128x32xf32>,
    %slice3A_912 = vector.extract_strided_slice %transpose3A {offsets = [29184, 0], sizes = [128, 32], strides = [1, 1]} : vector<32768x32xf32> to vector<128x32xf32>
    %swap3A_913 = arith.constant 7296 : index
    %swap3A_914 = arith.constant 0 : index
    %swap3A_915 = vector.load %arg2[%swap3A_913, %swap3A_914] : memref<8192x128xf32, #tpu.memory_space<vmem>>, vector<128x32xf32>
    tpu.vector_store %arg2[%swap3A_913, %swap3A_914], %slice3A_912 {strides = array<i32>} : memref<8192x128xf32, #tpu.memory_space<vmem>>, vector<128x32xf32>,
    %slice3A_916 = vector.extract_strided_slice %transpose3A {offsets = [29312, 0], sizes = [128, 32], strides = [1, 1]} : vector<32768x32xf32> to vector<128x32xf32>
    %swap3A_917 = arith.constant 7296 : index
    %swap3A_918 = arith.constant 32 : index
    %swap3A_919 = vector.load %arg2[%swap3A_917, %swap3A_918] : memref<8192x128xf32, #tpu.memory_space<vmem>>, vector<128x32xf32>
    tpu.vector_store %arg2[%swap3A_917, %swap3A_918], %slice3A_916 {strides = array<i32>} : memref<8192x128xf32, #tpu.memory_space<vmem>>, vector<128x32xf32>,
    %slice3A_920 = vector.extract_strided_slice %transpose3A {offsets = [29440, 0], sizes = [128, 32], strides = [1, 1]} : vector<32768x32xf32> to vector<128x32xf32>
    %swap3A_921 = arith.constant 7296 : index
    %swap3A_922 = arith.constant 64 : index
    %swap3A_923 = vector.load %arg2[%swap3A_921, %swap3A_922] : memref<8192x128xf32, #tpu.memory_space<vmem>>, vector<128x32xf32>
    tpu.vector_store %arg2[%swap3A_921, %swap3A_922], %slice3A_920 {strides = array<i32>} : memref<8192x128xf32, #tpu.memory_space<vmem>>, vector<128x32xf32>,
    %slice3A_924 = vector.extract_strided_slice %transpose3A {offsets = [29568, 0], sizes = [128, 32], strides = [1, 1]} : vector<32768x32xf32> to vector<128x32xf32>
    %swap3A_925 = arith.constant 7296 : index
    %swap3A_926 = arith.constant 96 : index
    %swap3A_927 = vector.load %arg2[%swap3A_925, %swap3A_926] : memref<8192x128xf32, #tpu.memory_space<vmem>>, vector<128x32xf32>
    tpu.vector_store %arg2[%swap3A_925, %swap3A_926], %slice3A_924 {strides = array<i32>} : memref<8192x128xf32, #tpu.memory_space<vmem>>, vector<128x32xf32>,
    %slice3A_928 = vector.extract_strided_slice %transpose3A {offsets = [29696, 0], sizes = [128, 32], strides = [1, 1]} : vector<32768x32xf32> to vector<128x32xf32>
    %swap3A_929 = arith.constant 7424 : index
    %swap3A_930 = arith.constant 0 : index
    %swap3A_931 = vector.load %arg2[%swap3A_929, %swap3A_930] : memref<8192x128xf32, #tpu.memory_space<vmem>>, vector<128x32xf32>
    tpu.vector_store %arg2[%swap3A_929, %swap3A_930], %slice3A_928 {strides = array<i32>} : memref<8192x128xf32, #tpu.memory_space<vmem>>, vector<128x32xf32>,
    %slice3A_932 = vector.extract_strided_slice %transpose3A {offsets = [29824, 0], sizes = [128, 32], strides = [1, 1]} : vector<32768x32xf32> to vector<128x32xf32>
    %swap3A_933 = arith.constant 7424 : index
    %swap3A_934 = arith.constant 32 : index
    %swap3A_935 = vector.load %arg2[%swap3A_933, %swap3A_934] : memref<8192x128xf32, #tpu.memory_space<vmem>>, vector<128x32xf32>
    tpu.vector_store %arg2[%swap3A_933, %swap3A_934], %slice3A_932 {strides = array<i32>} : memref<8192x128xf32, #tpu.memory_space<vmem>>, vector<128x32xf32>,
    %slice3A_936 = vector.extract_strided_slice %transpose3A {offsets = [29952, 0], sizes = [128, 32], strides = [1, 1]} : vector<32768x32xf32> to vector<128x32xf32>
    %swap3A_937 = arith.constant 7424 : index
    %swap3A_938 = arith.constant 64 : index
    %swap3A_939 = vector.load %arg2[%swap3A_937, %swap3A_938] : memref<8192x128xf32, #tpu.memory_space<vmem>>, vector<128x32xf32>
    tpu.vector_store %arg2[%swap3A_937, %swap3A_938], %slice3A_936 {strides = array<i32>} : memref<8192x128xf32, #tpu.memory_space<vmem>>, vector<128x32xf32>,
    %slice3A_940 = vector.extract_strided_slice %transpose3A {offsets = [30080, 0], sizes = [128, 32], strides = [1, 1]} : vector<32768x32xf32> to vector<128x32xf32>
    %swap3A_941 = arith.constant 7424 : index
    %swap3A_942 = arith.constant 96 : index
    %swap3A_943 = vector.load %arg2[%swap3A_941, %swap3A_942] : memref<8192x128xf32, #tpu.memory_space<vmem>>, vector<128x32xf32>
    tpu.vector_store %arg2[%swap3A_941, %swap3A_942], %slice3A_940 {strides = array<i32>} : memref<8192x128xf32, #tpu.memory_space<vmem>>, vector<128x32xf32>,
    %slice3A_944 = vector.extract_strided_slice %transpose3A {offsets = [30208, 0], sizes = [128, 32], strides = [1, 1]} : vector<32768x32xf32> to vector<128x32xf32>
    %swap3A_945 = arith.constant 7552 : index
    %swap3A_946 = arith.constant 0 : index
    %swap3A_947 = vector.load %arg2[%swap3A_945, %swap3A_946] : memref<8192x128xf32, #tpu.memory_space<vmem>>, vector<128x32xf32>
    tpu.vector_store %arg2[%swap3A_945, %swap3A_946], %slice3A_944 {strides = array<i32>} : memref<8192x128xf32, #tpu.memory_space<vmem>>, vector<128x32xf32>,
    %slice3A_948 = vector.extract_strided_slice %transpose3A {offsets = [30336, 0], sizes = [128, 32], strides = [1, 1]} : vector<32768x32xf32> to vector<128x32xf32>
    %swap3A_949 = arith.constant 7552 : index
    %swap3A_950 = arith.constant 32 : index
    %swap3A_951 = vector.load %arg2[%swap3A_949, %swap3A_950] : memref<8192x128xf32, #tpu.memory_space<vmem>>, vector<128x32xf32>
    tpu.vector_store %arg2[%swap3A_949, %swap3A_950], %slice3A_948 {strides = array<i32>} : memref<8192x128xf32, #tpu.memory_space<vmem>>, vector<128x32xf32>,
    %slice3A_952 = vector.extract_strided_slice %transpose3A {offsets = [30464, 0], sizes = [128, 32], strides = [1, 1]} : vector<32768x32xf32> to vector<128x32xf32>
    %swap3A_953 = arith.constant 7552 : index
    %swap3A_954 = arith.constant 64 : index
    %swap3A_955 = vector.load %arg2[%swap3A_953, %swap3A_954] : memref<8192x128xf32, #tpu.memory_space<vmem>>, vector<128x32xf32>
    tpu.vector_store %arg2[%swap3A_953, %swap3A_954], %slice3A_952 {strides = array<i32>} : memref<8192x128xf32, #tpu.memory_space<vmem>>, vector<128x32xf32>,
    %slice3A_956 = vector.extract_strided_slice %transpose3A {offsets = [30592, 0], sizes = [128, 32], strides = [1, 1]} : vector<32768x32xf32> to vector<128x32xf32>
    %swap3A_957 = arith.constant 7552 : index
    %swap3A_958 = arith.constant 96 : index
    %swap3A_959 = vector.load %arg2[%swap3A_957, %swap3A_958] : memref<8192x128xf32, #tpu.memory_space<vmem>>, vector<128x32xf32>
    tpu.vector_store %arg2[%swap3A_957, %swap3A_958], %slice3A_956 {strides = array<i32>} : memref<8192x128xf32, #tpu.memory_space<vmem>>, vector<128x32xf32>,
    %slice3A_960 = vector.extract_strided_slice %transpose3A {offsets = [30720, 0], sizes = [128, 32], strides = [1, 1]} : vector<32768x32xf32> to vector<128x32xf32>
    %swap3A_961 = arith.constant 7680 : index
    %swap3A_962 = arith.constant 0 : index
    %swap3A_963 = vector.load %arg2[%swap3A_961, %swap3A_962] : memref<8192x128xf32, #tpu.memory_space<vmem>>, vector<128x32xf32>
    tpu.vector_store %arg2[%swap3A_961, %swap3A_962], %slice3A_960 {strides = array<i32>} : memref<8192x128xf32, #tpu.memory_space<vmem>>, vector<128x32xf32>,
    %slice3A_964 = vector.extract_strided_slice %transpose3A {offsets = [30848, 0], sizes = [128, 32], strides = [1, 1]} : vector<32768x32xf32> to vector<128x32xf32>
    %swap3A_965 = arith.constant 7680 : index
    %swap3A_966 = arith.constant 32 : index
    %swap3A_967 = vector.load %arg2[%swap3A_965, %swap3A_966] : memref<8192x128xf32, #tpu.memory_space<vmem>>, vector<128x32xf32>
    tpu.vector_store %arg2[%swap3A_965, %swap3A_966], %slice3A_964 {strides = array<i32>} : memref<8192x128xf32, #tpu.memory_space<vmem>>, vector<128x32xf32>,
    %slice3A_968 = vector.extract_strided_slice %transpose3A {offsets = [30976, 0], sizes = [128, 32], strides = [1, 1]} : vector<32768x32xf32> to vector<128x32xf32>
    %swap3A_969 = arith.constant 7680 : index
    %swap3A_970 = arith.constant 64 : index
    %swap3A_971 = vector.load %arg2[%swap3A_969, %swap3A_970] : memref<8192x128xf32, #tpu.memory_space<vmem>>, vector<128x32xf32>
    tpu.vector_store %arg2[%swap3A_969, %swap3A_970], %slice3A_968 {strides = array<i32>} : memref<8192x128xf32, #tpu.memory_space<vmem>>, vector<128x32xf32>,
    %slice3A_972 = vector.extract_strided_slice %transpose3A {offsets = [31104, 0], sizes = [128, 32], strides = [1, 1]} : vector<32768x32xf32> to vector<128x32xf32>
    %swap3A_973 = arith.constant 7680 : index
    %swap3A_974 = arith.constant 96 : index
    %swap3A_975 = vector.load %arg2[%swap3A_973, %swap3A_974] : memref<8192x128xf32, #tpu.memory_space<vmem>>, vector<128x32xf32>
    tpu.vector_store %arg2[%swap3A_973, %swap3A_974], %slice3A_972 {strides = array<i32>} : memref<8192x128xf32, #tpu.memory_space<vmem>>, vector<128x32xf32>,
    %slice3A_976 = vector.extract_strided_slice %transpose3A {offsets = [31232, 0], sizes = [128, 32], strides = [1, 1]} : vector<32768x32xf32> to vector<128x32xf32>
    %swap3A_977 = arith.constant 7808 : index
    %swap3A_978 = arith.constant 0 : index
    %swap3A_979 = vector.load %arg2[%swap3A_977, %swap3A_978] : memref<8192x128xf32, #tpu.memory_space<vmem>>, vector<128x32xf32>
    tpu.vector_store %arg2[%swap3A_977, %swap3A_978], %slice3A_976 {strides = array<i32>} : memref<8192x128xf32, #tpu.memory_space<vmem>>, vector<128x32xf32>,
    %slice3A_980 = vector.extract_strided_slice %transpose3A {offsets = [31360, 0], sizes = [128, 32], strides = [1, 1]} : vector<32768x32xf32> to vector<128x32xf32>
    %swap3A_981 = arith.constant 7808 : index
    %swap3A_982 = arith.constant 32 : index
    %swap3A_983 = vector.load %arg2[%swap3A_981, %swap3A_982] : memref<8192x128xf32, #tpu.memory_space<vmem>>, vector<128x32xf32>
    tpu.vector_store %arg2[%swap3A_981, %swap3A_982], %slice3A_980 {strides = array<i32>} : memref<8192x128xf32, #tpu.memory_space<vmem>>, vector<128x32xf32>,
    %slice3A_984 = vector.extract_strided_slice %transpose3A {offsets = [31488, 0], sizes = [128, 32], strides = [1, 1]} : vector<32768x32xf32> to vector<128x32xf32>
    %swap3A_985 = arith.constant 7808 : index
    %swap3A_986 = arith.constant 64 : index
    %swap3A_987 = vector.load %arg2[%swap3A_985, %swap3A_986] : memref<8192x128xf32, #tpu.memory_space<vmem>>, vector<128x32xf32>
    tpu.vector_store %arg2[%swap3A_985, %swap3A_986], %slice3A_984 {strides = array<i32>} : memref<8192x128xf32, #tpu.memory_space<vmem>>, vector<128x32xf32>,
    %slice3A_988 = vector.extract_strided_slice %transpose3A {offsets = [31616, 0], sizes = [128, 32], strides = [1, 1]} : vector<32768x32xf32> to vector<128x32xf32>
    %swap3A_989 = arith.constant 7808 : index
    %swap3A_990 = arith.constant 96 : index
    %swap3A_991 = vector.load %arg2[%swap3A_989, %swap3A_990] : memref<8192x128xf32, #tpu.memory_space<vmem>>, vector<128x32xf32>
    tpu.vector_store %arg2[%swap3A_989, %swap3A_990], %slice3A_988 {strides = array<i32>} : memref<8192x128xf32, #tpu.memory_space<vmem>>, vector<128x32xf32>,
    %slice3A_992 = vector.extract_strided_slice %transpose3A {offsets = [31744, 0], sizes = [128, 32], strides = [1, 1]} : vector<32768x32xf32> to vector<128x32xf32>
    %swap3A_993 = arith.constant 7936 : index
    %swap3A_994 = arith.constant 0 : index
    %swap3A_995 = vector.load %arg2[%swap3A_993, %swap3A_994] : memref<8192x128xf32, #tpu.memory_space<vmem>>, vector<128x32xf32>
    tpu.vector_store %arg2[%swap3A_993, %swap3A_994], %slice3A_992 {strides = array<i32>} : memref<8192x128xf32, #tpu.memory_space<vmem>>, vector<128x32xf32>,
    %slice3A_996 = vector.extract_strided_slice %transpose3A {offsets = [31872, 0], sizes = [128, 32], strides = [1, 1]} : vector<32768x32xf32> to vector<128x32xf32>
    %swap3A_997 = arith.constant 7936 : index
    %swap3A_998 = arith.constant 32 : index
    %swap3A_999 = vector.load %arg2[%swap3A_997, %swap3A_998] : memref<8192x128xf32, #tpu.memory_space<vmem>>, vector<128x32xf32>
    tpu.vector_store %arg2[%swap3A_997, %swap3A_998], %slice3A_996 {strides = array<i32>} : memref<8192x128xf32, #tpu.memory_space<vmem>>, vector<128x32xf32>,
    %slice3A_1000 = vector.extract_strided_slice %transpose3A {offsets = [32000, 0], sizes = [128, 32], strides = [1, 1]} : vector<32768x32xf32> to vector<128x32xf32>
    %swap3A_1001 = arith.constant 7936 : index
    %swap3A_1002 = arith.constant 64 : index
    %swap3A_1003 = vector.load %arg2[%swap3A_1001, %swap3A_1002] : memref<8192x128xf32, #tpu.memory_space<vmem>>, vector<128x32xf32>
    tpu.vector_store %arg2[%swap3A_1001, %swap3A_1002], %slice3A_1000 {strides = array<i32>} : memref<8192x128xf32, #tpu.memory_space<vmem>>, vector<128x32xf32>,
    %slice3A_1004 = vector.extract_strided_slice %transpose3A {offsets = [32128, 0], sizes = [128, 32], strides = [1, 1]} : vector<32768x32xf32> to vector<128x32xf32>
    %swap3A_1005 = arith.constant 7936 : index
    %swap3A_1006 = arith.constant 96 : index
    %swap3A_1007 = vector.load %arg2[%swap3A_1005, %swap3A_1006] : memref<8192x128xf32, #tpu.memory_space<vmem>>, vector<128x32xf32>
    tpu.vector_store %arg2[%swap3A_1005, %swap3A_1006], %slice3A_1004 {strides = array<i32>} : memref<8192x128xf32, #tpu.memory_space<vmem>>, vector<128x32xf32>,
    %slice3A_1008 = vector.extract_strided_slice %transpose3A {offsets = [32256, 0], sizes = [128, 32], strides = [1, 1]} : vector<32768x32xf32> to vector<128x32xf32>
    %swap3A_1009 = arith.constant 8064 : index
    %swap3A_1010 = arith.constant 0 : index
    %swap3A_1011 = vector.load %arg2[%swap3A_1009, %swap3A_1010] : memref<8192x128xf32, #tpu.memory_space<vmem>>, vector<128x32xf32>
    tpu.vector_store %arg2[%swap3A_1009, %swap3A_1010], %slice3A_1008 {strides = array<i32>} : memref<8192x128xf32, #tpu.memory_space<vmem>>, vector<128x32xf32>,
    %slice3A_1012 = vector.extract_strided_slice %transpose3A {offsets = [32384, 0], sizes = [128, 32], strides = [1, 1]} : vector<32768x32xf32> to vector<128x32xf32>
    %swap3A_1013 = arith.constant 8064 : index
    %swap3A_1014 = arith.constant 32 : index
    %swap3A_1015 = vector.load %arg2[%swap3A_1013, %swap3A_1014] : memref<8192x128xf32, #tpu.memory_space<vmem>>, vector<128x32xf32>
    tpu.vector_store %arg2[%swap3A_1013, %swap3A_1014], %slice3A_1012 {strides = array<i32>} : memref<8192x128xf32, #tpu.memory_space<vmem>>, vector<128x32xf32>,
    %slice3A_1016 = vector.extract_strided_slice %transpose3A {offsets = [32512, 0], sizes = [128, 32], strides = [1, 1]} : vector<32768x32xf32> to vector<128x32xf32>
    %swap3A_1017 = arith.constant 8064 : index
    %swap3A_1018 = arith.constant 64 : index
    %swap3A_1019 = vector.load %arg2[%swap3A_1017, %swap3A_1018] : memref<8192x128xf32, #tpu.memory_space<vmem>>, vector<128x32xf32>
    tpu.vector_store %arg2[%swap3A_1017, %swap3A_1018], %slice3A_1016 {strides = array<i32>} : memref<8192x128xf32, #tpu.memory_space<vmem>>, vector<128x32xf32>,
    %slice3A_1020 = vector.extract_strided_slice %transpose3A {offsets = [32640, 0], sizes = [128, 32], strides = [1, 1]} : vector<32768x32xf32> to vector<128x32xf32>
    %swap3A_1021 = arith.constant 8064 : index
    %swap3A_1022 = arith.constant 96 : index
    %swap3A_1023 = vector.load %arg2[%swap3A_1021, %swap3A_1022] : memref<8192x128xf32, #tpu.memory_space<vmem>>, vector<128x32xf32>
    tpu.vector_store %arg2[%swap3A_1021, %swap3A_1022], %slice3A_1020 {strides = array<i32>} : memref<8192x128xf32, #tpu.memory_space<vmem>>, vector<128x32xf32>,
    return
  }
  func.func @transform_0(%arg0: i32) -> (i32, i32) {
    %c0_i32 = arith.constant 0 : i32
    %c0_i32_0 = arith.constant 0 : i32
    return %c0_i32, %arg0 : i32, i32
  }
  func.func @transform_1(%arg0: i32) -> (i32, i32) {
    %c0_i32 = arith.constant 0 : i32
    %c0_i32_0 = arith.constant 0 : i32
    return %arg0, %c0_i32 : i32, i32
  }
}

</mosaic_0001>

<sc_bundles>
// kernel: kernel.5.cloned.1.call-start
scs
__scs_entry_jumppad:
0x0: {  	(pc) =	sbr.rel $0x88, $3  }
0x1: {  	(tag) =	ssettag $0x0;
	lr =	simm.s32 $0x1  }
0x2: {  	[smem:$0x3F9F] =	sst lr;
	_ =	strace $0xD0000000  }
0x3: {  	_ = 	snop  }
0x4: {  	_ = 	snop  }
0x5: {  	_ = 	snop  }
0x6: {  	_ = 	snop  }
0x7: {  	_ = 	snop  }
__scs_overlays_trampoline_lowered:
0x8: {  	[smem:$0x3FAE] =	sst s0  }
0x9: {  	[smem:$0x3FAF] =	sst s1  }
0xa: {  	[smem:$0x3FB0] =	sst s2  }
0xb: {  	[smem:$0x3FB1] =	sst s3  }
0xc: {  	[smem:$0x3FB2] =	sst s4  }
0xd: {  	[smem:$0x3FB3] =	sst s5  }
0xe: {  	[smem:$0x3FB4] =	sst s6  }
0xf: {  	[smem:$0x3FB5] =	sst s7  }
0x10: {  	[smem:$0x3FB6] =	sst s8  }
0x11: {  	[smem:$0x3FB7] =	sst s9;
	s0 =	simm.s32 @!p0 $0x0  }
0x12: {  	s1 =	sld [smem:$0x3F9D];
	s0 =	simm.s32 @p0 $0x1  }
0x13: {  	[smem:$0x3FB8] =	sst s0;
	s0 =	simm.s32 @!p1 $0x0  }
0x14: {  	s2 =	sld [smem:$0x3F9C];
	s0 =	simm.s32 @p1 $0x1  }
0x15: {  	[smem:$0x3FB9] =	sst s0;
	s0 =	simm.s32 @!p2 $0x0  }
0x16: {  	s3 =	sld [smem:$0x3FDB];
	s0 =	simm.s32 @p2 $0x1  }
0x17: {  	s4 =	simm.s32 $0x1BF5;
	[smem:$0x3FBB] =	sst s0  }
0x18: {  	s0 =	sld [smem:$0x3F9E];
	_ =	swait.ge [sflag:s4], $0x0  }
0x19: {  	s7 =	sld [smem:$0x3F9F]  }
0x1a: {  	s8 =	sadd.s32 $0xFFFFE003, lr  }
0x1b: {  	s9 =	sadd.s32 $0xFFFFFEF7, lr;
	s5 =	simm.s32 $0xFFFFFFFF;
	p2 =	slt.u32 s8, $0xFFFFF086  }
0x1c: {  	p1 =	slt.u32 s9, $0xF7A;
	s5 =	simm.s32 @!p2 $0x0  }
0x1d: {  	s5 =	simm.s32 @p1 $0x1;
	p0 =	seq.s32 s7, s2  }
0x1e: {  	s7 =	smul.u32 @!p0 $0xF7A, s2;
	p2 =	seq.s32 @!p0 s5, $0x0  }
0x1f: {  	s9 =	smul.u32 $0xF7A, s1;
	s8 =	simm.s32 @!p0 $0x1BF5;
	p2 =	por !p2, p0  }
0x20: {  	[sflag:s8] =	ssyncset.s32 @!p0 $0xFFFFF086;
	s6 =	sadd.s32 @!p0 s3, s7;
	s7 =	simm.s32 @!p0 $0x108  }
0x21: {  	s3 =	sadd.s32 s3, s9;
	s6 =	sadd.s32 @!p0 $0x88, s6;
	s7 =	simm.s32 @p2 $0x1082  }
0x22: {  	[simem:s7], [sflag:s8] =	dma.local @!p0 [hbm:s6], $0xF7A  }
0x23: {  	s9 =	sor.u32 $0xD0000000, s2;
	s6 =	simm.s32 $0x108;
	_ =	swait.ge @!p0 [sflag:s8], $0x0  }
0x24: {  	s3 =	sadd.s32 $0x88, s3;
	s6 =	simm.s32 @!p1 $0x1082;
	[sflag:s4] =	ssyncset.s32 $0xFFFFF086  }
0x25: {  	[simem:s6], [sflag:s4] =	dma.local [hbm:s3], $0xF7A  }
0x26: {  	[smem:$0x3F9F] =	sst s1;
	(tag) =	ssettag s2;
	_ =	strace s9  }
0x27: {  	s1 =	sld [smem:$0x3FAF]  }
0x28: {  	s2 =	sld [smem:$0x3FB0]  }
0x29: {  	s4 =	sld [smem:$0x3FB2]  }
0x2a: {  	p0 =	seq.s32 s5, $0x0;
	s5 =	sld [smem:$0x3FB3]  }
0x2b: {  	s6 =	sld [smem:$0x3FB4]  }
0x2c: {  	s7 =	sld [smem:$0x3FB5]  }
0x2d: {  	s3 =	simm.s32 $0x108;
	s8 =	sld [smem:$0x3FB6]  }
0x2e: {  	s3 =	simm.s32 @!p0 $0x1082;
	s9 =	sld [smem:$0x3FB7]  }
0x2f: {  	lr =	sadd.s32 s0, s3;
	s0 =	sld [smem:$0x3FAE]  }
0x30: {  	s3 =	sld [smem:$0x3FB1]  }
0x31: {  	[smem:$0x3FBA] =	sst s10  }
0x32: {  	s10 =	sld [smem:$0x3FB8];
	_ =	sdelay $0x3  }
0x33: {  	p0 =	seq.s32 s10, $0x1;
	s10 =	sld [smem:$0x3FBA];
	_ =	sdelay $0x3  }
0x34: {  	[smem:$0x3FBA] =	sst s10  }
0x35: {  	s10 =	sld [smem:$0x3FB9];
	_ =	sdelay $0x3  }
0x36: {  	p1 =	seq.s32 s10, $0x1;
	s10 =	sld [smem:$0x3FBA];
	_ =	sdelay $0x3  }
0x37: {  	[smem:$0x3FBA] =	sst s10  }
0x38: {  	s10 =	sld [smem:$0x3FBB]  }
0x39: {  	_ = 	snop;
	(pc) =	sbr.ind lr, $3  }
0x3a: {  	_ = 	snop  }
0x3b: {  	_ = 	snop  }
0x3c: {  	p2 =	seq.s32 s10, $0x1;
	s10 =	sld [smem:$0x3FBA]  }
0x3d: {  	_ =	shalt  }
0x3e: {  	_ =	shalt  }
0x3f: {  	_ =	shalt  }
0x40: {  	_ =	shalt  }
0x41: {  	_ =	shalt  }
0x42: {  	_ =	shalt  }
0x43: {  	_ =	shalt  }
0x44: {  	_ =	shalt  }
0x45: {  	_ =	shalt  }
0x46: {  	_ =	shalt  }
0x47: {  	_ =	shalt  }
0x48: {  	_ =	shalt  }
0x49: {  	_ =	shalt  }
0x4a: {  	_ =	shalt  }
0x4b: {  	_ =	shalt  }
0x4c: {  	_ =	shalt  }
0x4d: {  	_ =	shalt  }
0x4e: {  	_ =	shalt  }
0x4f: {  	_ =	shalt  }
0x50: {  	_ =	shalt  }
0x51: {  	_ =	shalt  }
0x52: {  	_ =	shalt  }
0x53: {  	_ =	shalt  }
0x54: {  	_ =	shalt  }
0x55: {  	_ =	shalt  }
0x56: {  	_ =	shalt  }
0x57: {  	_ =	shalt  }
0x58: {  	_ =	shalt  }
0x59: {  	_ =	shalt  }
0x5a: {  	_ =	shalt  }
0x5b: {  	_ =	shalt  }
0x5c: {  	_ =	shalt  }
0x5d: {  	_ =	shalt  }
0x5e: {  	_ =	shalt  }
0x5f: {  	_ =	shalt  }
0x60: {  	_ =	shalt  }
0x61: {  	_ =	shalt  }
0x62: {  	_ =	shalt  }
0x63: {  	_ =	shalt  }
0x64: {  	_ =	shalt  }
0x65: {  	_ =	shalt  }
0x66: {  	_ =	shalt  }
0x67: {  	_ =	shalt  }
0x68: {  	_ =	shalt  }
0x69: {  	_ =	shalt  }
0x6a: {  	_ =	shalt  }
0x6b: {  	_ =	shalt  }
0x6c: {  	_ =	shalt  }
0x6d: {  	_ =	shalt  }
0x6e: {  	_ =	shalt  }
0x6f: {  	_ =	shalt  }
0x70: {  	_ =	shalt  }
0x71: {  	_ =	shalt  }
0x72: {  	_ =	shalt  }
0x73: {  	_ =	shalt  }
0x74: {  	_ =	shalt  }
0x75: {  	_ =	shalt  }
0x76: {  	_ =	shalt  }
0x77: {  	_ =	shalt  }
0x78: {  	_ =	shalt  }
0x79: {  	_ =	shalt  }
0x7a: {  	_ =	shalt  }
0x7b: {  	_ =	shalt  }
0x7c: {  	_ =	shalt  }
0x7d: {  	_ =	shalt  }
0x7e: {  	_ =	shalt  }
0x7f: {  	_ =	shalt  }
0x80: {  	_ =	shalt  }
0x81: {  	_ =	shalt  }
0x82: {  	_ =	shalt  }
0x83: {  	_ =	shalt  }
0x84: {  	_ =	shalt  }
0x85: {  	_ =	shalt  }
0x86: {  	_ =	shalt  }
0x87: {  	_ =	shalt  }
.Lfunc_end0:
.L_simem_size_0:
called_computation_lowered:
.L_overlay_start_0:
0x88: {  	s2 =	sld [smem:$0x3FD9]  }
0x89: {  	s3 =	sld [smem:$0x3FFE];
	_ =	sdelay $0x1  }
0x8a: {  	s1 =	srdreg.scid  }
0x8b: {  	s0 =	sand.u32 $0x1, s1  }
0x8c: {  	s16 =	sshll.u32 s0, $0xA;
	s2 =	sadd.s32 s3, s2  }
0x8d: {  	s2 =	sadd.s32 s2, s16  }
0x8e: {  	[smem:$0x3FC6] =	sst s2  }
0x8f: {  	_ = 	snop  }
0x90: {  	(tm) =	ssettm $0x1  }
0x91: {  	s17 =	sld [smem:$0x3FFB];
	_ =	sdelay $0x3  }
0x92: {  	_ =	strace s17  }
0x93: {  	s2 =	sld [smem:$0x3FFC];
	_ =	sdelay $0x3  }
0x94: {  	_ =	strace s2  }
0x95: {  	s2 =	sld [smem:$0x3FFD];
	_ =	sdelay $0x3  }
0x96: {  	_ =	strace s2  }
0x97: {  	_ =	strace $0x8FFFFFFF  }
0x98: {  	s18 =	sld [smem:$0x3FDB];
	_ =	sdelay $0x1  }
0x99: {  	s19 =	simm.s32 $_scs_section_size  }
0x9a: {  	s4 =	simm.s32 $_size__tile_overlayer_lowered;
	s5 =	simm.s32 $_tile_overlayer_lowered  }
0x9b: {  	s22 =	simm.s32 $0x1BFF;
	s21 =	sshll.u32 s5, $0x1;
	s2 =	sadd.s32 s19, s18  }
0x9c: {  	s6 =	simm.s32 $0x0;
	s20 =	sshll.u32 s4, $0x1;
	s4 =	sadd.s32 s21, s2  }
0x9d: {  	[timem:s6], [sflag:s22] =	dma.local [hbm:s4], s20  }
0x9e: {  	_ =	swait.ge [sflag:s22], s20  }
0x9f: {  	s3 =	ssub.s32 $0x0, s20;
	[sflag:s22] =	ssyncset.done $0x0  }
0xa0: {  	[sflag:s22] =	ssyncadd.s32 s3;
	_ =	sdelay $0x1  }
0xa1: {  	s23 =	simm.s32 $0x1B8B  }
0xa2: {  	_ =	swait.ge [sflag:s23], $0x1  }
0xa3: {  	[sflag:s23] =	ssyncset.done $0x0  }
0xa4: {  	s25 =	simm.s32 $0x1B8E;
	s24 =	sld [smem:$0x3FFE];
	[sflag:s23] =	ssyncadd.s32 $0xFFFFFFFF  }
0xa5: {  	s26 =	simm.s32 $execute0_lowered;
	[smem:$0x3FD2] =	sst s25  }
0xa6: {  	s4 =	sshll.u32 s26, $0x1;
	_ =	strace $0x80000046;
	[dreg:$0x1] =	wrdreg $0xFFFFFFFF  }
0xa7: {  	s28 =	simm.s32 $_size_execute0_lowered;
	s2 =	sadd.s32 s2, s4;
	[dreg:$0x0] =	wrdreg $0x0  }
0xa8: {  	s4 =	sshll.u32 s28, $0x1;
	[dreg:$0x2] =	wrdreg s2  }
0xa9: {  	[dreg:$0x3] =	wrdreg s4  }
0xaa: {  	[dreg:$0x4] =	wrdreg $0xC0  }
0xab: {  	_ =	task [dreg:s6], $0x5FFFF  }
0xac: {  	[dreg:$0x1] =	wrdreg $0xFFFFFFFF  }
0xad: {  	[dreg:$0x0] =	wrdreg $0x60  }
0xae: {  	[dreg:$0x2] =	wrdreg s24  }
0xaf: {  	[dreg:$0x3] =	wrdreg $0x9  }
0xb0: {  	_ =	task.clear_ibuf [dreg:s6], $0x4FFFF;
	_ =	strace $0x90000046  }
0xb1: {  	s29 =	simm.s32 $0x9;
	_ =	strace $0x80000048  }
0xb2: {  	_ =	swait.ge [sflag:s29], $0x1  }
0xb3: {  	[sflag:s29] =	ssyncadd.s32 $0xFFFFFFFF  }
0xb4: {  	_ =	strace $0x90000048  }
0xb5: {  	_ =	sfence  }
0xb6: {  	s30 =	sld [smem:$0x0];
	_ =	sdelay $0x2  }
0xb7: {  	s31 =	sshll.u32 s1, $0xD;
	s1 =	sshrl.u32 s1, $0x2  }
0xb8: {  	s3 =	sand.u32 $0x4000, s31;
	s1 =	sadd.s32 s1, s30  }
0xb9: {  	s0 =	sor.u32 s3, s0;
	s1 =	sshll.u32 s1, $0x11  }
0xba: {  	s0 =	sor.u32 s1, s0  }
0xbb: {  	s0 =	sadd.s32 $0x8F2B, s0  }
0xbc: {  	[sflag:s0] =	ssyncadd.remote.s32 $0x1  }
0xbd: {  	_ =	sfence.sel $0xFFFF  }
0xbe: {  	[dreg:$0x0] =	wrdreg $0xFFFFFFFF;
	(pc) =	sbr.abs _section_cstart, $3  }
0xbf: {  	[dreg:$0x1] =	wrdreg $0xFFFFFFFF  }
0xc0: {  	_ =	task.clear_ibuf [dreg:s6], $0x2FFFF;
	_ =	strace $0x9FFFFFFF  }
0xc1: {  	(tm) =	ssettm $0x7FFFFFFF  }
tec
execute0_lowered:
.L_overlay_start_1:
0x0: {  	(tag) =	ssettag $0x1  }
0x1: {  	s1 =	srdreg.scid  }
0x2: {  	s0 =	stileid.u32;
	s6 =	sand.u32 $0x1, s1  }
0x3: {  	s8 =	rddreg [dreg:$0x0];
	s30 =	sshll.u32 s0, $0xA;
	s2 =	sshll.u32 s6, $0x9  }
0x4: {  	s7 =	simm.s32 $0x1;
	s1 =	rddreg [dreg:$0x1];
	s9 =	sor.u32 s2, s30  }
0x5: {  	s5 =	sadd.s32 $0x1200, s8;
	s2 =	simm.s32 $0x0;
	s3 =	sshrl.u32 s9, $0x3  }
0x6: {  	s10 =	ssub.s32 $0x2, s6;
	[smem:$0x7FF] =	sst s2;
	s3 =	sadd.s32 s3, s8  }
0x7: {  	_ =	strace $0x80000047;
	s4 =	sadd.s32 $0xA00, s3;
	s3 =	simm.s32 $0x2  }
0x8: {  	[tilespmem:s2], [sflag:$0x2] =	stream.linear.gather [hbm4b:s4+s2], $0x200, $0x38;
	[tilespmem:$0x10200] =	vst v63  }
0x9: {  	s6 =	simm.s32 $0x200;
	s11 =	sshrl.u32 s10, $0x1;
	_ =	swait.ge [sflag:s3], $0x200  }
0xa: {  	s9 =	sshll.u32 s9, $0x4;
	s31 =	ssub.s32 s10, s11;
	[sflag:s3] =	ssyncset.done $0x0  }
0xb: {  	s8 =	sadd.s32 s9, s8;
	s9 =	smax.u32 s31, $0x1;
	[sflag:s3] =	ssyncadd.s32 $0xFFFFFE00  }
0xc: {  	[tilespmem:s6], [sflag:$0x1] =	stream.indirect.gather [hbm4b:s5+s6], $0x80, s2, s6, $0xb8;
	[tilespmem:$0x10200] =	vst v63  }
0xd: {  	p0 =	sne.s32 s9, $0x1;
	_ =	swait.ge [sflag:s7], $0x10000  }
.Ltmp0:
0xe: {  	[sflag:s7] =	ssyncset.done $0x0;
	(pc) =	sbr.rel @!p0 .LBB2_2-.Ltmp0, $4  }
0xf: {  	s8 =	sadd.s32 $0x3E1200, s8;
	[sflag:s7] =	ssyncadd.s32 $0xFFFF0000  }
0x10: {  	[hbm4b:s8+s2] =	stream.linear.scatter [tilespmem:s6], [sflag:$0x2], $0x10000, $0x38;
	[tilespmem:$0x10200] =	vst v63  }
0x11: {  	_ =	swait.ge [sflag:s3], $0x10000  }
0x12: {  	s9 =	sadd.s32 $0xFFFFFFFF, s9;
	[sflag:s3] =	ssyncset.done $0x0  }
.LBB2_1:
0x13: {  	p0 =	sne.s32 s9, $0x1;
	s9 =	sadd.s32 $0xFFFFFFFF, s9;
	[sflag:s3] =	ssyncadd.s32 $0xFFFF0000  }
0x14: {  	[tilespmem:s2], [sflag:$0x2] =	stream.linear.gather [hbm4b:s4+s2], $0x200, $0x38;
	[tilespmem:$0x10200] =	vst v63  }
0x15: {  	_ =	swait.ge [sflag:s3], $0x200  }
0x16: {  	[sflag:s3] =	ssyncset.done $0x0  }
0x17: {  	[sflag:s3] =	ssyncadd.s32 $0xFFFFFE00  }
0x18: {  	[tilespmem:s6], [sflag:$0x1] =	stream.indirect.gather [hbm4b:s5+s6], $0x80, s2, s6, $0xb8;
	[tilespmem:$0x10200] =	vst v63  }
0x19: {  	_ =	swait.ge [sflag:s7], $0x10000  }
.Ltmp1:
0x1a: {  	[sflag:s7] =	ssyncset.done $0x0;
	(pc) =	sbr.rel @p0 .LBB2_1-.Ltmp1, $4  }
0x1b: {  	[sflag:s7] =	ssyncadd.s32 $0xFFFF0000  }
0x1c: {  	[hbm4b:s8+s2] =	stream.linear.scatter [tilespmem:s6], [sflag:$0x2], $0x10000, $0x38;
	[tilespmem:$0x10200] =	vst v63  }
0x1d: {  	_ =	swait.ge [sflag:s3], $0x10000  }
0x1e: {  	[sflag:s3] =	ssyncset.done $0x0  }
.LBB2_2:
0x1f: {  	[sflag:s3] =	ssyncadd.s32 $0xFFFF0000  }
0x20: {  	_ =	sfence.sel $0x180000  }
0x21: {  	[bflag:$0x0] =	sbarrier.arrive $0xFFFF  }
0x22: {  	p0 =	sne.s32 s0, $0x0;
	_ =	strace $0x90000047  }
0x23: {  	s0 =	sadd.s32 @!p0 $0x100000, s1;
	[bflag:$0x2] =	sbarrier.arrive $0xFFFF  }
0x24: {  	[sflag:s0] =	ssyncadd.tile.s32 @!p0 $0x1;
	_ =	shalt  }
.Lfunc_end2:
_tile_overlayer_lowered:
.L_overlay_start_2:
0x25: {  	(tag) =	ssettag $0x2  }
0x26: {  	s0 =	rddreg [dreg:$0x0];
	s2 =	stileid.u32  }
0x27: {  	s1 =	rddreg [dreg:$0x1];
	p0 =	sne.s32 s2, $0x0  }
0x28: {  	s3 =	rddreg [dreg:$0x2];
	[bflag:$0x3] =	sbarrier.arrive $0xFFFF;
	s2 =	simm.s32 @!p0 $0x1C02  }
0x29: {  	[timem:s3], [sflag:s2] =	dma.local @!p0 [hbm:s0], s1  }
0x2a: {  	s0 =	simm.s32 @!p0 $0x2  }
0x2b: {  	_ =	swait.ge @!p0 [sflag:s0], s1  }
0x2c: {  	s1 =	ssub.s32 @!p0 $0x0, s1;
	[sflag:s0] =	ssyncset.done @!p0 $0x0  }
0x2d: {  	[sflag:s0] =	ssyncadd.s32 @!p0 s1  }
0x2e: {  	[bflag:$0x3] =	sbarrier.arrive $0xFFFF  }
0x2f: {  	_ =	shalt  }

</sc_bundles>
